<compile_context>
chip_gen: v7x
topology: tpu7x:2x2x1
jax: 0.10.2.dev20260603
libtpu: 0.0.44.dev20260713+nightly
codegen_flags: <defaults>
</compile_context>

<pallas_src>
import functools

import jax
import jax.numpy as jnp
from jax import lax
from jax.experimental import pallas as pl
from jax.experimental.pallas import tpu as pltpu
from jax.experimental.pallas import tpu_sc as plsc

N_NODES = 10000
N_EDGES = 320000
D = 128
NC = 2
NS = 16
NW = NC * NS
EPW = N_EDGES // NW
CE = 80
NCH = EPW // CE
NPAD = 10240
RPT = NPAD // NS
CW = 32
ZR = 40
OB = 128


def _sc_segment_sum(edges_data, idx3d):
    mesh = plsc.VectorSubcoreMesh(
        core_axis_name="c", subcore_axis_name="s",
        num_cores=NC, num_subcores=NS)

    @functools.partial(
        pl.kernel,
        out_type=[
            jax.ShapeDtypeStruct((NC * NPAD, D), jnp.float32),
            jax.ShapeDtypeStruct((NC * NPAD, D), jnp.float32),
        ],
        mesh=mesh,
        scratch_types=[
            pltpu.VMEM((NCH, CE), jnp.int32),
            pltpu.VMEM((CE, D), jnp.float32),
            pltpu.VMEM((CE, D), jnp.float32),
            pltpu.VMEM((CE, D), jnp.float32),
            pltpu.SemaphoreType.DMA,
            pltpu.SemaphoreType.DMA,
            pltpu.VMEM_SHARED((NPAD, D), jnp.float32),
        ],
    )
    def k(edges_hbm, idx_hbm, out_p, out_c,
          idx_v, ebuf0, ebuf1, ones_v, sem0, sem1, acc):
        c = lax.axis_index("c")
        s = lax.axis_index("s")
        wid = c * NS + s
        r0 = s * RPT
        o0 = c * NPAD + r0
        e0 = wid * EPW

        zero16 = jnp.zeros((16,), jnp.float32)
        one16 = jnp.ones((16,), jnp.float32)

        def chunk(j):
            return edges_hbm.at[pl.ds(e0 + j * CE, CE)]

        def init_bufs(r, carry):
            for kk in range(D // 16):
                ebuf0[r, pl.ds(kk * 16, 16)] = zero16
                ones_v[r, pl.ds(kk * 16, 16)] = one16
            return carry
        lax.fori_loop(0, CE, init_bufs, 0)

        def zero_fill(kk, carry):
            pltpu.sync_copy(ebuf0, acc.at[pl.ds(r0 + kk * CE, CE)])
            return carry
        lax.fori_loop(0, RPT // CE, zero_fill, 0)

        pltpu.sync_copy(idx_hbm.at[wid], idx_v)

        plsc.subcore_barrier()

        pltpu.async_copy(chunk(0), ebuf0, sem0)

        def pipe(g, carry):
            j = 2 * g
            pltpu.async_copy(chunk(j + 1), ebuf1, sem1)
            pltpu.make_async_copy(chunk(j), ebuf0, sem0).wait()
            pltpu.sync_copy(ebuf0, acc.at[idx_v.at[j]], add=True)
            pltpu.async_copy(chunk(j + 2), ebuf0, sem0)
            pltpu.make_async_copy(chunk(j + 1), ebuf1, sem1).wait()
            pltpu.sync_copy(ebuf1, acc.at[idx_v.at[j + 1]], add=True)
            return carry
        lax.fori_loop(0, (NCH - 1) // 2, pipe, 0)
        pltpu.make_async_copy(chunk(NCH - 1), ebuf0, sem0).wait()
        pltpu.sync_copy(ebuf0, acc.at[idx_v.at[NCH - 1]], add=True)

        plsc.subcore_barrier()

        def sum_out_fire(kk, carry):
            pltpu.async_copy(acc.at[pl.ds(r0 + kk * CE, CE)],
                             out_p.at[pl.ds(o0 + kk * CE, CE)], sem1)
            return carry
        lax.fori_loop(0, RPT // CE, sum_out_fire, 0)

        def sum_out_drain(kk, carry):
            pltpu.make_async_copy(acc.at[pl.ds(r0 + kk * CE, CE)],
                                  out_p.at[pl.ds(o0 + kk * CE, CE)], sem1).wait()
            return carry
        lax.fori_loop(0, RPT // CE, sum_out_drain, 0)

        def init_zeros2(r, carry):
            for kk in range(D // 16):
                ebuf0[r, pl.ds(kk * 16, 16)] = zero16
            return carry
        lax.fori_loop(0, CE, init_zeros2, 0)

        def zero_fill2(kk, carry):
            pltpu.sync_copy(ebuf0, acc.at[pl.ds(r0 + kk * CE, CE)])
            return carry
        lax.fori_loop(0, RPT // CE, zero_fill2, 0)

        plsc.subcore_barrier()

        def cnt_fire(j, carry):
            pltpu.async_copy(ones_v, acc.at[idx_v.at[j]], sem0, add=True)
            return carry
        lax.fori_loop(0, NCH, cnt_fire, 0)

        def cnt_drain(j, carry):
            pltpu.make_async_copy(ones_v, acc.at[idx_v.at[j]], sem0).wait()
            return carry
        lax.fori_loop(0, NCH, cnt_drain, 0)

        plsc.subcore_barrier()

        def cnt_out_fire(kk, carry):
            pltpu.async_copy(acc.at[pl.ds(r0 + kk * CE, CE)],
                             out_c.at[pl.ds(o0 + kk * CE, CE)], sem1)
            return carry
        lax.fori_loop(0, RPT // CE, cnt_out_fire, 0)

        def cnt_out_drain(kk, carry):
            pltpu.make_async_copy(acc.at[pl.ds(r0 + kk * CE, CE)],
                                  out_c.at[pl.ds(o0 + kk * CE, CE)], sem1).wait()
            return carry
        lax.fori_loop(0, RPT // CE, cnt_out_drain, 0)

    return k(edges_data, idx3d)


def _tc_combine(p2, c2, nodes_data, glob2d):
    R = 1000

    def body(p_ref, c_ref, n_ref, g_ref, o_ref):
        ssum = p_ref[0] + p_ref[1]
        cnts = c_ref[0] + c_ref[1]
        cnt0 = cnts[:, 0:1]
        o_ref[:, 0:D] = ssum / jnp.maximum(cnt0, 1.0)
        o_ref[:, D:2 * D] = n_ref[...]
        o_ref[:, 2 * D:3 * D] = jnp.broadcast_to(g_ref[...], (R, D))

    return pl.pallas_call(
        body,
        grid=(N_NODES // R,),
        in_specs=[
            pl.BlockSpec((NC, R, D), lambda i: (0, i, 0)),
            pl.BlockSpec((NC, R, D), lambda i: (0, i, 0)),
            pl.BlockSpec((R, D), lambda i: (i, 0)),
            pl.BlockSpec((1, D), lambda i: (0, 0)),
        ],
        out_specs=pl.BlockSpec((R, 3 * D), lambda i: (i, 0)),
        out_shape=jax.ShapeDtypeStruct((N_NODES, 3 * D), jnp.float32),
    )(p2, c2, nodes_data, glob2d)


def kernel(nodes_data, edges_data, edge_dst, global_data):
    idx3d = edge_dst.astype(jnp.int32).reshape(NW, NCH, CE)
    part_p, part_c = _sc_segment_sum(edges_data, idx3d)
    p2 = part_p.reshape(NC, NPAD, D)
    c2 = part_c.reshape(NC, NPAD, D)
    return _tc_combine(p2, c2, nodes_data, global_data.reshape(1, D))

# --- scband reference (transcript-rebuilt; emitter-appended) ---
"""Pipeline reference for scband-node-block-19250043420735 (READ-ONLY COPY).

The authoritative reference and input builder live on the scoring server;
editing this copy changes nothing except your own understanding.
"""

import jax, jax.numpy as jnp
import numpy as np

N_NODES = 10000
N_EDGES = 320000
D_FEAT = 128


def setup_inputs(seed: int = 0) -> dict:
    key = jax.random.key(seed)
    k1, k2, k3, k4 = jax.random.split(key, 4)
    nodes_data = jax.random.normal(k1, (N_NODES, D_FEAT), dtype=jnp.float32)
    edges_data = jax.random.normal(k2, (N_EDGES, D_FEAT), dtype=jnp.float32)
    edge_dst = jax.random.randint(k3, (N_EDGES,), 0, N_NODES, dtype=jnp.int64 if jax.config.jax_enable_x64 else jnp.int32)
    global_data = jax.random.normal(k4, (D_FEAT,), dtype=jnp.float32)
    return {"nodes_data": nodes_data, "edges_data": edges_data, "edge_dst": edge_dst, "global_data": global_data}


def reference(nodes_data, edges_data, edge_dst, global_data):
    # NodeBlock with independent=False, updater=None, MeanAggregator:
    #   aggregated[nid] = mean of edges_data over edges whose incoming (dst) node is nid
    #   to_updater = stack([concat([aggregated[nid], nodes_data[nid], global_data]) for nid in range(N)])
    n = nodes_data.shape[0]
    summed = jax.ops.segment_sum(edges_data, edge_dst, num_segments=n)
    counts = jax.ops.segment_sum(jnp.ones((edges_data.shape[0],), dtype=edges_data.dtype), edge_dst, num_segments=n)
    aggregated = summed / jnp.maximum(counts, 1.0)[:, None]
    glob = jnp.broadcast_to(global_data[None, :], (n, global_data.shape[0]))
    to_updater = jnp.concatenate([aggregated, nodes_data, glob], axis=1)
    return to_updater

if __name__ == "__main__":
    import jax
    _d = setup_inputs()
    print(jax.jit(kernel)(*tuple(_d.values())))

</pallas_src>

<mosaic_0001>
#map = affine_map<(d0, d1) -> (0, 0)>
#map1 = affine_map<(d0, d1) -> (0, 0, 0)>
module attributes {stable_mosaic.version = 14 : i64} {
  func.func @k(%arg0: i32, %arg1: i32, %arg2: memref<320000x128xf32, #tpu.memory_space<hbm>>, %arg3: memref<32x125x80xi32, #tpu.memory_space<hbm>>, %arg4: memref<20480x128xf32, #tpu.memory_space<hbm>>, %arg5: memref<20480x128xf32, #tpu.memory_space<hbm>>, %arg6: memref<125x80xi32, #tpu.memory_space<vmem>>, %arg7: memref<80x128xf32, #tpu.memory_space<vmem>>, %arg8: memref<80x128xf32, #tpu.memory_space<vmem>>, %arg9: memref<80x128xf32, #tpu.memory_space<vmem>>, %arg10: memref<!tpu.dma_semaphore, #tpu.memory_space<semaphore_mem>>, %arg11: memref<!tpu.dma_semaphore, #tpu.memory_space<semaphore_mem>>, %arg12: memref<10240x128xf32, #tpu.memory_space<vmem_shared>>) attributes {dimension_semantics = [#tpu.dimension_semantics<core_parallel>, #tpu.dimension_semantics<subcore_parallel>], iteration_bounds = array<i64: 2, 16>, scalar_prefetch = 0 : i64, scratch_operands = 7 : i64, tpu.core_type = #tpu.core_type<sc_vector_subcore>, window_params = [{transform_indices = #map}, {transform_indices = #map1}, {transform_indices = #map}, {transform_indices = #map}]} {
    %mul3A = arith.constant 16 : i32
    %mul3A_0 = arith.muli %arg0, %mul3A : i32
    %add3A = arith.addi %mul3A_0, %arg1 : i32
    %mul3A_1 = arith.constant 640 : i32
    %mul3A_2 = arith.muli %arg1, %mul3A_1 : i32
    %mul3A_3 = arith.constant 10240 : i32
    %mul3A_4 = arith.muli %arg0, %mul3A_3 : i32
    %add3A_5 = arith.addi %mul3A_4, %mul3A_2 : i32
    %mul3A_6 = arith.constant 10000 : i32
    %mul3A_7 = arith.muli %add3A, %mul3A_6 : i32
    %broadcast_in_dim3A = arith.constant 0.000000e+00 : f32
    %broadcast_in_dim3A_8 = vector.broadcast %broadcast_in_dim3A : f32 to vector<16xf32>
    %broadcast_in_dim3A_9 = arith.constant 1.000000e+00 : f32
    %broadcast_in_dim3A_10 = vector.broadcast %broadcast_in_dim3A_9 : f32 to vector<16xf32>
    %scan3A = arith.constant 0 : i32
    %scan3A_11 = arith.constant 0 : i32
    %scan3A_12 = arith.constant 80 : i32
    %scan3A_13 = arith.addi %scan3A_11, %scan3A_12 : i32
    %scan3A_14 = arith.constant 1 : i32
    scf.for %scan3A_89 = %scan3A_11 to %scan3A_13 step %scan3A_14  : i32 {
      %swap3A = arith.index_cast %scan3A_89 : i32 to index
      %swap3A_90 = arith.constant 0 : index
      %swap3A_91 = tpu.vector_load %arg7[%swap3A, %swap3A_90] {strides = array<i32>} : memref<80x128xf32, #tpu.memory_space<vmem>>, vector<1x16xf32>,
      %swap3A_92 = vector.shape_cast %swap3A_91 : vector<1x16xf32> to vector<16xf32>
      %swap3A_93 = vector.shape_cast %broadcast_in_dim3A_8 : vector<16xf32> to vector<1x16xf32>
      tpu.vector_store %arg7[%swap3A, %swap3A_90], %swap3A_93 {strides = array<i32>} : memref<80x128xf32, #tpu.memory_space<vmem>>, vector<1x16xf32>,
      %swap3A_94 = arith.index_cast %scan3A_89 : i32 to index
      %swap3A_95 = arith.constant 0 : index
      %swap3A_96 = tpu.vector_load %arg9[%swap3A_94, %swap3A_95] {strides = array<i32>} : memref<80x128xf32, #tpu.memory_space<vmem>>, vector<1x16xf32>,
      %swap3A_97 = vector.shape_cast %swap3A_96 : vector<1x16xf32> to vector<16xf32>
      %swap3A_98 = vector.shape_cast %broadcast_in_dim3A_10 : vector<16xf32> to vector<1x16xf32>
      tpu.vector_store %arg9[%swap3A_94, %swap3A_95], %swap3A_98 {strides = array<i32>} : memref<80x128xf32, #tpu.memory_space<vmem>>, vector<1x16xf32>,
      %swap3A_99 = arith.index_cast %scan3A_89 : i32 to index
      %swap3A_100 = arith.constant 16 : index
      %swap3A_101 = tpu.vector_load %arg7[%swap3A_99, %swap3A_100] {strides = array<i32>} : memref<80x128xf32, #tpu.memory_space<vmem>>, vector<1x16xf32>,
      %swap3A_102 = vector.shape_cast %swap3A_101 : vector<1x16xf32> to vector<16xf32>
      %swap3A_103 = vector.shape_cast %broadcast_in_dim3A_8 : vector<16xf32> to vector<1x16xf32>
      tpu.vector_store %arg7[%swap3A_99, %swap3A_100], %swap3A_103 {strides = array<i32>} : memref<80x128xf32, #tpu.memory_space<vmem>>, vector<1x16xf32>,
      %swap3A_104 = arith.index_cast %scan3A_89 : i32 to index
      %swap3A_105 = arith.constant 16 : index
      %swap3A_106 = tpu.vector_load %arg9[%swap3A_104, %swap3A_105] {strides = array<i32>} : memref<80x128xf32, #tpu.memory_space<vmem>>, vector<1x16xf32>,
      %swap3A_107 = vector.shape_cast %swap3A_106 : vector<1x16xf32> to vector<16xf32>
      %swap3A_108 = vector.shape_cast %broadcast_in_dim3A_10 : vector<16xf32> to vector<1x16xf32>
      tpu.vector_store %arg9[%swap3A_104, %swap3A_105], %swap3A_108 {strides = array<i32>} : memref<80x128xf32, #tpu.memory_space<vmem>>, vector<1x16xf32>,
      %swap3A_109 = arith.index_cast %scan3A_89 : i32 to index
      %swap3A_110 = arith.constant 32 : index
      %swap3A_111 = tpu.vector_load %arg7[%swap3A_109, %swap3A_110] {strides = array<i32>} : memref<80x128xf32, #tpu.memory_space<vmem>>, vector<1x16xf32>,
      %swap3A_112 = vector.shape_cast %swap3A_111 : vector<1x16xf32> to vector<16xf32>
      %swap3A_113 = vector.shape_cast %broadcast_in_dim3A_8 : vector<16xf32> to vector<1x16xf32>
      tpu.vector_store %arg7[%swap3A_109, %swap3A_110], %swap3A_113 {strides = array<i32>} : memref<80x128xf32, #tpu.memory_space<vmem>>, vector<1x16xf32>,
      %swap3A_114 = arith.index_cast %scan3A_89 : i32 to index
      %swap3A_115 = arith.constant 32 : index
      %swap3A_116 = tpu.vector_load %arg9[%swap3A_114, %swap3A_115] {strides = array<i32>} : memref<80x128xf32, #tpu.memory_space<vmem>>, vector<1x16xf32>,
      %swap3A_117 = vector.shape_cast %swap3A_116 : vector<1x16xf32> to vector<16xf32>
      %swap3A_118 = vector.shape_cast %broadcast_in_dim3A_10 : vector<16xf32> to vector<1x16xf32>
      tpu.vector_store %arg9[%swap3A_114, %swap3A_115], %swap3A_118 {strides = array<i32>} : memref<80x128xf32, #tpu.memory_space<vmem>>, vector<1x16xf32>,
      %swap3A_119 = arith.index_cast %scan3A_89 : i32 to index
      %swap3A_120 = arith.constant 48 : index
      %swap3A_121 = tpu.vector_load %arg7[%swap3A_119, %swap3A_120] {strides = array<i32>} : memref<80x128xf32, #tpu.memory_space<vmem>>, vector<1x16xf32>,
      %swap3A_122 = vector.shape_cast %swap3A_121 : vector<1x16xf32> to vector<16xf32>
      %swap3A_123 = vector.shape_cast %broadcast_in_dim3A_8 : vector<16xf32> to vector<1x16xf32>
      tpu.vector_store %arg7[%swap3A_119, %swap3A_120], %swap3A_123 {strides = array<i32>} : memref<80x128xf32, #tpu.memory_space<vmem>>, vector<1x16xf32>,
      %swap3A_124 = arith.index_cast %scan3A_89 : i32 to index
      %swap3A_125 = arith.constant 48 : index
      %swap3A_126 = tpu.vector_load %arg9[%swap3A_124, %swap3A_125] {strides = array<i32>} : memref<80x128xf32, #tpu.memory_space<vmem>>, vector<1x16xf32>,
      %swap3A_127 = vector.shape_cast %swap3A_126 : vector<1x16xf32> to vector<16xf32>
      %swap3A_128 = vector.shape_cast %broadcast_in_dim3A_10 : vector<16xf32> to vector<1x16xf32>
      tpu.vector_store %arg9[%swap3A_124, %swap3A_125], %swap3A_128 {strides = array<i32>} : memref<80x128xf32, #tpu.memory_space<vmem>>, vector<1x16xf32>,
      %swap3A_129 = arith.index_cast %scan3A_89 : i32 to index
      %swap3A_130 = arith.constant 64 : index
      %swap3A_131 = tpu.vector_load %arg7[%swap3A_129, %swap3A_130] {strides = array<i32>} : memref<80x128xf32, #tpu.memory_space<vmem>>, vector<1x16xf32>,
      %swap3A_132 = vector.shape_cast %swap3A_131 : vector<1x16xf32> to vector<16xf32>
      %swap3A_133 = vector.shape_cast %broadcast_in_dim3A_8 : vector<16xf32> to vector<1x16xf32>
      tpu.vector_store %arg7[%swap3A_129, %swap3A_130], %swap3A_133 {strides = array<i32>} : memref<80x128xf32, #tpu.memory_space<vmem>>, vector<1x16xf32>,
      %swap3A_134 = arith.index_cast %scan3A_89 : i32 to index
      %swap3A_135 = arith.constant 64 : index
      %swap3A_136 = tpu.vector_load %arg9[%swap3A_134, %swap3A_135] {strides = array<i32>} : memref<80x128xf32, #tpu.memory_space<vmem>>, vector<1x16xf32>,
      %swap3A_137 = vector.shape_cast %swap3A_136 : vector<1x16xf32> to vector<16xf32>
      %swap3A_138 = vector.shape_cast %broadcast_in_dim3A_10 : vector<16xf32> to vector<1x16xf32>
      tpu.vector_store %arg9[%swap3A_134, %swap3A_135], %swap3A_138 {strides = array<i32>} : memref<80x128xf32, #tpu.memory_space<vmem>>, vector<1x16xf32>,
      %swap3A_139 = arith.index_cast %scan3A_89 : i32 to index
      %swap3A_140 = arith.constant 80 : index
      %swap3A_141 = tpu.vector_load %arg7[%swap3A_139, %swap3A_140] {strides = array<i32>} : memref<80x128xf32, #tpu.memory_space<vmem>>, vector<1x16xf32>,
      %swap3A_142 = vector.shape_cast %swap3A_141 : vector<1x16xf32> to vector<16xf32>
      %swap3A_143 = vector.shape_cast %broadcast_in_dim3A_8 : vector<16xf32> to vector<1x16xf32>
      tpu.vector_store %arg7[%swap3A_139, %swap3A_140], %swap3A_143 {strides = array<i32>} : memref<80x128xf32, #tpu.memory_space<vmem>>, vector<1x16xf32>,
      %swap3A_144 = arith.index_cast %scan3A_89 : i32 to index
      %swap3A_145 = arith.constant 80 : index
      %swap3A_146 = tpu.vector_load %arg9[%swap3A_144, %swap3A_145] {strides = array<i32>} : memref<80x128xf32, #tpu.memory_space<vmem>>, vector<1x16xf32>,
      %swap3A_147 = vector.shape_cast %swap3A_146 : vector<1x16xf32> to vector<16xf32>
      %swap3A_148 = vector.shape_cast %broadcast_in_dim3A_10 : vector<16xf32> to vector<1x16xf32>
      tpu.vector_store %arg9[%swap3A_144, %swap3A_145], %swap3A_148 {strides = array<i32>} : memref<80x128xf32, #tpu.memory_space<vmem>>, vector<1x16xf32>,
      %swap3A_149 = arith.index_cast %scan3A_89 : i32 to index
      %swap3A_150 = arith.constant 96 : index
      %swap3A_151 = tpu.vector_load %arg7[%swap3A_149, %swap3A_150] {strides = array<i32>} : memref<80x128xf32, #tpu.memory_space<vmem>>, vector<1x16xf32>,
      %swap3A_152 = vector.shape_cast %swap3A_151 : vector<1x16xf32> to vector<16xf32>
      %swap3A_153 = vector.shape_cast %broadcast_in_dim3A_8 : vector<16xf32> to vector<1x16xf32>
      tpu.vector_store %arg7[%swap3A_149, %swap3A_150], %swap3A_153 {strides = array<i32>} : memref<80x128xf32, #tpu.memory_space<vmem>>, vector<1x16xf32>,
      %swap3A_154 = arith.index_cast %scan3A_89 : i32 to index
      %swap3A_155 = arith.constant 96 : index
      %swap3A_156 = tpu.vector_load %arg9[%swap3A_154, %swap3A_155] {strides = array<i32>} : memref<80x128xf32, #tpu.memory_space<vmem>>, vector<1x16xf32>,
      %swap3A_157 = vector.shape_cast %swap3A_156 : vector<1x16xf32> to vector<16xf32>
      %swap3A_158 = vector.shape_cast %broadcast_in_dim3A_10 : vector<16xf32> to vector<1x16xf32>
      tpu.vector_store %arg9[%swap3A_154, %swap3A_155], %swap3A_158 {strides = array<i32>} : memref<80x128xf32, #tpu.memory_space<vmem>>, vector<1x16xf32>,
      %swap3A_159 = arith.index_cast %scan3A_89 : i32 to index
      %swap3A_160 = arith.constant 112 : index
      %swap3A_161 = tpu.vector_load %arg7[%swap3A_159, %swap3A_160] {strides = array<i32>} : memref<80x128xf32, #tpu.memory_space<vmem>>, vector<1x16xf32>,
      %swap3A_162 = vector.shape_cast %swap3A_161 : vector<1x16xf32> to vector<16xf32>
      %swap3A_163 = vector.shape_cast %broadcast_in_dim3A_8 : vector<16xf32> to vector<1x16xf32>
      tpu.vector_store %arg7[%swap3A_159, %swap3A_160], %swap3A_163 {strides = array<i32>} : memref<80x128xf32, #tpu.memory_space<vmem>>, vector<1x16xf32>,
      %swap3A_164 = arith.index_cast %scan3A_89 : i32 to index
      %swap3A_165 = arith.constant 112 : index
      %swap3A_166 = tpu.vector_load %arg9[%swap3A_164, %swap3A_165] {strides = array<i32>} : memref<80x128xf32, #tpu.memory_space<vmem>>, vector<1x16xf32>,
      %swap3A_167 = vector.shape_cast %swap3A_166 : vector<1x16xf32> to vector<16xf32>
      %swap3A_168 = vector.shape_cast %broadcast_in_dim3A_10 : vector<16xf32> to vector<1x16xf32>
      tpu.vector_store %arg9[%swap3A_164, %swap3A_165], %swap3A_168 {strides = array<i32>} : memref<80x128xf32, #tpu.memory_space<vmem>>, vector<1x16xf32>,
    }
    %scan3A_15 = arith.constant 80 : i32
    %scan3A_16 = arith.constant 0 : i32
    %scan3A_17 = arith.constant 0 : i32
    %scan3A_18 = arith.constant 8 : i32
    %scan3A_19 = arith.addi %scan3A_17, %scan3A_18 : i32
    %scan3A_20 = arith.constant 1 : i32
    scf.for %scan3A_89 = %scan3A_17 to %scan3A_19 step %scan3A_20  : i32 {
      %mul3A_90 = arith.constant 80 : i32
      %mul3A_91 = arith.muli %scan3A_89, %mul3A_90 : i32
      %add3A_92 = arith.addi %mul3A_2, %mul3A_91 : i32
      "tpu.region"() ({
        %run_scoped3A_93 = tpu.sem_alloc : memref<!tpu.dma_semaphore, #tpu.memory_space<semaphore_mem>>
        %dma_start3A_94 = arith.constant 0 : i32
        %dma_start3A_95 = tpu.memref_slice %arg12[%add3A_92, %dma_start3A_94] : memref<10240x128xf32, #tpu.memory_space<vmem_shared>> -> memref<80x128xf32, #tpu.memory_space<vmem_shared>>
        %dma_start3A_96 = arith.constant 0 : i32
        %dma_start3A_97 = tpu.memref_slice %arg12[%add3A_92, %dma_start3A_96] : memref<10240x128xf32, #tpu.memory_space<vmem_shared>> -> memref<80x128xf32, #tpu.memory_space<vmem_shared>>
        tpu.enqueue_dma source(%arg7 : memref<80x128xf32, #tpu.memory_space<vmem>>) target(%dma_start3A_97 : memref<80x128xf32, #tpu.memory_space<vmem_shared>>) target_semaphore(%run_scoped3A_93 : memref<!tpu.dma_semaphore, #tpu.memory_space<semaphore_mem>>)
        %dma_wait3A_98 = arith.constant 0 : i32
        %dma_wait3A_99 = tpu.memref_slice %arg12[%add3A_92, %dma_wait3A_98] : memref<10240x128xf32, #tpu.memory_space<vmem_shared>> -> memref<80x128xf32, #tpu.memory_space<vmem_shared>>
        %dma_wait3A_100 = arith.constant 0 : i32
        %dma_wait3A_101 = tpu.memref_slice %arg12[%add3A_92, %dma_wait3A_100] : memref<10240x128xf32, #tpu.memory_space<vmem_shared>> -> memref<80x128xf32, #tpu.memory_space<vmem_shared>>
        tpu.wait_dma2 semaphore(%run_scoped3A_93 : memref<!tpu.dma_semaphore, #tpu.memory_space<semaphore_mem>>) src(%arg7 : memref<80x128xf32, #tpu.memory_space<vmem>>) dst(%dma_wait3A_101 : memref<80x128xf32, #tpu.memory_space<vmem_shared>>)
        tpu.yield
      }) : () -> ()
    }
    %scan3A_21 = arith.constant 8 : i32
    "tpu.region"() ({
      %run_scoped3A_89 = tpu.sem_alloc : memref<!tpu.dma_semaphore, #tpu.memory_space<semaphore_mem>>
      %dma_start3A_90 = arith.constant 0 : i32
      %dma_start3A_91 = arith.constant 0 : i32
      %dma_start3A_92 = tpu.memref_slice %arg3[%add3A, %dma_start3A_90, %dma_start3A_91] : memref<32x125x80xi32, #tpu.memory_space<hbm>> -> memref<1x125x80xi32, #tpu.memory_space<hbm>>
      %dma_start3A_93 = tpu.memref_squeeze %dma_start3A_92 : memref<1x125x80xi32, #tpu.memory_space<hbm>> -> memref<125x80xi32, #tpu.memory_space<hbm>>
      %dma_start3A_94 = arith.constant 0 : i32
      %dma_start3A_95 = arith.constant 0 : i32
      %dma_start3A_96 = tpu.memref_slice %arg3[%add3A, %dma_start3A_94, %dma_start3A_95] : memref<32x125x80xi32, #tpu.memory_space<hbm>> -> memref<1x125x80xi32, #tpu.memory_space<hbm>>
      %dma_start3A_97 = tpu.memref_squeeze %dma_start3A_96 : memref<1x125x80xi32, #tpu.memory_space<hbm>> -> memref<125x80xi32, #tpu.memory_space<hbm>>
      tpu.enqueue_dma source(%dma_start3A_97 : memref<125x80xi32, #tpu.memory_space<hbm>>) target(%arg6 : memref<125x80xi32, #tpu.memory_space<vmem>>) target_semaphore(%run_scoped3A_89 : memref<!tpu.dma_semaphore, #tpu.memory_space<semaphore_mem>>)
      %dma_wait3A_98 = arith.constant 0 : i32
      %dma_wait3A_99 = arith.constant 0 : i32
      %dma_wait3A_100 = tpu.memref_slice %arg3[%add3A, %dma_wait3A_98, %dma_wait3A_99] : memref<32x125x80xi32, #tpu.memory_space<hbm>> -> memref<1x125x80xi32, #tpu.memory_space<hbm>>
      %dma_wait3A_101 = tpu.memref_squeeze %dma_wait3A_100 : memref<1x125x80xi32, #tpu.memory_space<hbm>> -> memref<125x80xi32, #tpu.memory_space<hbm>>
      %dma_wait3A_102 = arith.constant 0 : i32
      %dma_wait3A_103 = arith.constant 0 : i32
      %dma_wait3A_104 = tpu.memref_slice %arg3[%add3A, %dma_wait3A_102, %dma_wait3A_103] : memref<32x125x80xi32, #tpu.memory_space<hbm>> -> memref<1x125x80xi32, #tpu.memory_space<hbm>>
      %dma_wait3A_105 = tpu.memref_squeeze %dma_wait3A_104 : memref<1x125x80xi32, #tpu.memory_space<hbm>> -> memref<125x80xi32, #tpu.memory_space<hbm>>
      tpu.wait_dma2 semaphore(%run_scoped3A_89 : memref<!tpu.dma_semaphore, #tpu.memory_space<semaphore_mem>>) src(%dma_wait3A_105 : memref<125x80xi32, #tpu.memory_space<hbm>>) dst(%arg6 : memref<125x80xi32, #tpu.memory_space<vmem>>)
      tpu.yield
    }) : () -> ()
    %barrier3A = arith.constant 0 : index
    tpu.barrier barrier_id(%barrier3A)
    %add3A_22 = arith.constant 0 : i32
    %add3A_23 = arith.addi %mul3A_7, %add3A_22 : i32
    %dma_start3A = arith.constant 0 : i32
    %dma_start3A_24 = tpu.memref_slice %arg2[%add3A_23, %dma_start3A] : memref<320000x128xf32, #tpu.memory_space<hbm>> -> memref<80x128xf32, #tpu.memory_space<hbm>>
    %dma_start3A_25 = arith.constant 0 : i32
    %dma_start3A_26 = tpu.memref_slice %arg2[%add3A_23, %dma_start3A_25] : memref<320000x128xf32, #tpu.memory_space<hbm>> -> memref<80x128xf32, #tpu.memory_space<hbm>>
    tpu.enqueue_dma source(%dma_start3A_26 : memref<80x128xf32, #tpu.memory_space<hbm>>) target(%arg7 : memref<80x128xf32, #tpu.memory_space<vmem>>) target_semaphore(%arg10 : memref<!tpu.dma_semaphore, #tpu.memory_space<semaphore_mem>>)
    %scan3A_27 = arith.constant 0 : i32
    %scan3A_28 = arith.constant 0 : i32
    %scan3A_29 = arith.constant 62 : i32
    %scan3A_30 = arith.addi %scan3A_28, %scan3A_29 : i32
    %scan3A_31 = arith.constant 1 : i32
    scf.for %scan3A_89 = %scan3A_28 to %scan3A_30 step %scan3A_31  : i32 {
      %mul3A_90 = arith.constant 2 : i32
      %mul3A_91 = arith.muli %mul3A_90, %scan3A_89 : i32
      %add3A_92 = arith.constant 1 : i32
      %add3A_93 = arith.addi %mul3A_91, %add3A_92 : i32
      %mul3A_94 = arith.constant 80 : i32
      %mul3A_95 = arith.muli %add3A_93, %mul3A_94 : i32
      %add3A_96 = arith.addi %mul3A_7, %mul3A_95 : i32
      %dma_start3A_97 = arith.constant 0 : i32
      %dma_start3A_98 = tpu.memref_slice %arg2[%add3A_96, %dma_start3A_97] : memref<320000x128xf32, #tpu.memory_space<hbm>> -> memref<80x128xf32, #tpu.memory_space<hbm>>
      %dma_start3A_99 = arith.constant 0 : i32
      %dma_start3A_100 = tpu.memref_slice %arg2[%add3A_96, %dma_start3A_99] : memref<320000x128xf32, #tpu.memory_space<hbm>> -> memref<80x128xf32, #tpu.memory_space<hbm>>
      tpu.enqueue_dma source(%dma_start3A_100 : memref<80x128xf32, #tpu.memory_space<hbm>>) target(%arg8 : memref<80x128xf32, #tpu.memory_space<vmem>>) target_semaphore(%arg11 : memref<!tpu.dma_semaphore, #tpu.memory_space<semaphore_mem>>)
      %mul3A_101 = arith.constant 80 : i32
      %mul3A_102 = arith.muli %mul3A_91, %mul3A_101 : i32
      %add3A_103 = arith.addi %mul3A_7, %mul3A_102 : i32
      %dma_wait3A_104 = arith.constant 0 : i32
      %dma_wait3A_105 = tpu.memref_slice %arg2[%add3A_103, %dma_wait3A_104] : memref<320000x128xf32, #tpu.memory_space<hbm>> -> memref<80x128xf32, #tpu.memory_space<hbm>>
      %dma_wait3A_106 = arith.constant 0 : i32
      %dma_wait3A_107 = tpu.memref_slice %arg2[%add3A_103, %dma_wait3A_106] : memref<320000x128xf32, #tpu.memory_space<hbm>> -> memref<80x128xf32, #tpu.memory_space<hbm>>
      tpu.wait_dma2 semaphore(%arg10 : memref<!tpu.dma_semaphore, #tpu.memory_space<semaphore_mem>>) src(%dma_wait3A_107 : memref<80x128xf32, #tpu.memory_space<hbm>>) dst(%arg7 : memref<80x128xf32, #tpu.memory_space<vmem>>)
      "tpu.region"() ({
        %run_scoped3A_128 = tpu.sem_alloc : memref<!tpu.dma_semaphore, #tpu.memory_space<semaphore_mem>>
        %dma_start3A_129 = arith.constant 0 : i32
        %dma_start3A_130 = tpu.memref_slice %arg6[%mul3A_91, %dma_start3A_129] : memref<125x80xi32, #tpu.memory_space<vmem>> -> memref<1x80xi32, #tpu.memory_space<vmem>>
        %dma_start3A_131 = tpu.memref_squeeze %dma_start3A_130 : memref<1x80xi32, #tpu.memory_space<vmem>> -> memref<80xi32, #tpu.memory_space<vmem>>
        %dma_start3A_132 = arith.constant 0 : i32
        %dma_start3A_133 = arith.constant 0 : i32
        %dma_start3A_134 = tpu.memref_slice %arg12[%dma_start3A_132, %dma_start3A_133] : memref<10240x128xf32, #tpu.memory_space<vmem_shared>> -> memref<10240x128xf32, #tpu.memory_space<vmem_shared>>
        tpu.enqueue_indirect_dma source(%arg7 : memref<80x128xf32, #tpu.memory_space<vmem>>) target(%dma_start3A_134 : memref<10240x128xf32, #tpu.memory_space<vmem_shared>>) offsets(%dma_start3A_131 : memref<80xi32, #tpu.memory_space<vmem>>) semaphore(%run_scoped3A_128 : memref<!tpu.dma_semaphore, #tpu.memory_space<semaphore_mem>>) {add = true}
        %dma_wait3A_135 = arith.constant 0 : i32
        %dma_wait3A_136 = tpu.memref_slice %arg6[%mul3A_91, %dma_wait3A_135] : memref<125x80xi32, #tpu.memory_space<vmem>> -> memref<1x80xi32, #tpu.memory_space<vmem>>
        %dma_wait3A_137 = tpu.memref_squeeze %dma_wait3A_136 : memref<1x80xi32, #tpu.memory_space<vmem>> -> memref<80xi32, #tpu.memory_space<vmem>>
        %dma_wait3A_138 = arith.constant 0 : i32
        %dma_wait3A_139 = arith.constant 0 : i32
        %dma_wait3A_140 = tpu.memref_slice %arg12[%dma_wait3A_138, %dma_wait3A_139] : memref<10240x128xf32, #tpu.memory_space<vmem_shared>> -> memref<10240x128xf32, #tpu.memory_space<vmem_shared>>
        tpu.wait_indirect_dma semaphore(%run_scoped3A_128 : memref<!tpu.dma_semaphore, #tpu.memory_space<semaphore_mem>>) src(%arg7 : memref<80x128xf32, #tpu.memory_space<vmem>>) dst(%dma_wait3A_140 : memref<10240x128xf32, #tpu.memory_space<vmem_shared>>)
        tpu.yield
      }) : () -> ()
      %add3A_108 = arith.constant 2 : i32
      %add3A_109 = arith.addi %mul3A_91, %add3A_108 : i32
      %mul3A_110 = arith.constant 80 : i32
      %mul3A_111 = arith.muli %add3A_109, %mul3A_110 : i32
      %add3A_112 = arith.addi %mul3A_7, %mul3A_111 : i32
      %dma_start3A_113 = arith.constant 0 : i32
      %dma_start3A_114 = tpu.memref_slice %arg2[%add3A_112, %dma_start3A_113] : memref<320000x128xf32, #tpu.memory_space<hbm>> -> memref<80x128xf32, #tpu.memory_space<hbm>>
      %dma_start3A_115 = arith.constant 0 : i32
      %dma_start3A_116 = tpu.memref_slice %arg2[%add3A_112, %dma_start3A_115] : memref<320000x128xf32, #tpu.memory_space<hbm>> -> memref<80x128xf32, #tpu.memory_space<hbm>>
      tpu.enqueue_dma source(%dma_start3A_116 : memref<80x128xf32, #tpu.memory_space<hbm>>) target(%arg7 : memref<80x128xf32, #tpu.memory_space<vmem>>) target_semaphore(%arg10 : memref<!tpu.dma_semaphore, #tpu.memory_space<semaphore_mem>>)
      %add3A_117 = arith.constant 1 : i32
      %add3A_118 = arith.addi %mul3A_91, %add3A_117 : i32
      %mul3A_119 = arith.constant 80 : i32
      %mul3A_120 = arith.muli %add3A_118, %mul3A_119 : i32
      %add3A_121 = arith.addi %mul3A_7, %mul3A_120 : i32
      %dma_wait3A_122 = arith.constant 0 : i32
      %dma_wait3A_123 = tpu.memref_slice %arg2[%add3A_121, %dma_wait3A_122] : memref<320000x128xf32, #tpu.memory_space<hbm>> -> memref<80x128xf32, #tpu.memory_space<hbm>>
      %dma_wait3A_124 = arith.constant 0 : i32
      %dma_wait3A_125 = tpu.memref_slice %arg2[%add3A_121, %dma_wait3A_124] : memref<320000x128xf32, #tpu.memory_space<hbm>> -> memref<80x128xf32, #tpu.memory_space<hbm>>
      tpu.wait_dma2 semaphore(%arg11 : memref<!tpu.dma_semaphore, #tpu.memory_space<semaphore_mem>>) src(%dma_wait3A_125 : memref<80x128xf32, #tpu.memory_space<hbm>>) dst(%arg8 : memref<80x128xf32, #tpu.memory_space<vmem>>)
      %add3A_126 = arith.constant 1 : i32
      %add3A_127 = arith.addi %mul3A_91, %add3A_126 : i32
      "tpu.region"() ({
        %run_scoped3A_128 = tpu.sem_alloc : memref<!tpu.dma_semaphore, #tpu.memory_space<semaphore_mem>>
        %dma_start3A_129 = arith.constant 0 : i32
        %dma_start3A_130 = tpu.memref_slice %arg6[%add3A_127, %dma_start3A_129] : memref<125x80xi32, #tpu.memory_space<vmem>> -> memref<1x80xi32, #tpu.memory_space<vmem>>
        %dma_start3A_131 = tpu.memref_squeeze %dma_start3A_130 : memref<1x80xi32, #tpu.memory_space<vmem>> -> memref<80xi32, #tpu.memory_space<vmem>>
        %dma_start3A_132 = arith.constant 0 : i32
        %dma_start3A_133 = arith.constant 0 : i32
        %dma_start3A_134 = tpu.memref_slice %arg12[%dma_start3A_132, %dma_start3A_133] : memref<10240x128xf32, #tpu.memory_space<vmem_shared>> -> memref<10240x128xf32, #tpu.memory_space<vmem_shared>>
        tpu.enqueue_indirect_dma source(%arg8 : memref<80x128xf32, #tpu.memory_space<vmem>>) target(%dma_start3A_134 : memref<10240x128xf32, #tpu.memory_space<vmem_shared>>) offsets(%dma_start3A_131 : memref<80xi32, #tpu.memory_space<vmem>>) semaphore(%run_scoped3A_128 : memref<!tpu.dma_semaphore, #tpu.memory_space<semaphore_mem>>) {add = true}
        %dma_wait3A_135 = arith.constant 0 : i32
        %dma_wait3A_136 = tpu.memref_slice %arg6[%add3A_127, %dma_wait3A_135] : memref<125x80xi32, #tpu.memory_space<vmem>> -> memref<1x80xi32, #tpu.memory_space<vmem>>
        %dma_wait3A_137 = tpu.memref_squeeze %dma_wait3A_136 : memref<1x80xi32, #tpu.memory_space<vmem>> -> memref<80xi32, #tpu.memory_space<vmem>>
        %dma_wait3A_138 = arith.constant 0 : i32
        %dma_wait3A_139 = arith.constant 0 : i32
        %dma_wait3A_140 = tpu.memref_slice %arg12[%dma_wait3A_138, %dma_wait3A_139] : memref<10240x128xf32, #tpu.memory_space<vmem_shared>> -> memref<10240x128xf32, #tpu.memory_space<vmem_shared>>
        tpu.wait_indirect_dma semaphore(%run_scoped3A_128 : memref<!tpu.dma_semaphore, #tpu.memory_space<semaphore_mem>>) src(%arg8 : memref<80x128xf32, #tpu.memory_space<vmem>>) dst(%dma_wait3A_140 : memref<10240x128xf32, #tpu.memory_space<vmem_shared>>)
        tpu.yield
      }) : () -> ()
    }
    %scan3A_32 = arith.constant 62 : i32
    %add3A_33 = arith.constant 9920 : i32
    %add3A_34 = arith.addi %mul3A_7, %add3A_33 : i32
    %dma_wait3A = arith.constant 0 : i32
    %dma_wait3A_35 = tpu.memref_slice %arg2[%add3A_34, %dma_wait3A] : memref<320000x128xf32, #tpu.memory_space<hbm>> -> memref<80x128xf32, #tpu.memory_space<hbm>>
    %dma_wait3A_36 = arith.constant 0 : i32
    %dma_wait3A_37 = tpu.memref_slice %arg2[%add3A_34, %dma_wait3A_36] : memref<320000x128xf32, #tpu.memory_space<hbm>> -> memref<80x128xf32, #tpu.memory_space<hbm>>
    tpu.wait_dma2 semaphore(%arg10 : memref<!tpu.dma_semaphore, #tpu.memory_space<semaphore_mem>>) src(%dma_wait3A_37 : memref<80x128xf32, #tpu.memory_space<hbm>>) dst(%arg7 : memref<80x128xf32, #tpu.memory_space<vmem>>)
    %run_scoped3A = arith.constant 124 : i32
    "tpu.region"() ({
      %run_scoped3A_89 = tpu.sem_alloc : memref<!tpu.dma_semaphore, #tpu.memory_space<semaphore_mem>>
      %dma_start3A_90 = arith.constant 0 : i32
      %dma_start3A_91 = tpu.memref_slice %arg6[%run_scoped3A, %dma_start3A_90] : memref<125x80xi32, #tpu.memory_space<vmem>> -> memref<1x80xi32, #tpu.memory_space<vmem>>
      %dma_start3A_92 = tpu.memref_squeeze %dma_start3A_91 : memref<1x80xi32, #tpu.memory_space<vmem>> -> memref<80xi32, #tpu.memory_space<vmem>>
      %dma_start3A_93 = arith.constant 0 : i32
      %dma_start3A_94 = arith.constant 0 : i32
      %dma_start3A_95 = tpu.memref_slice %arg12[%dma_start3A_93, %dma_start3A_94] : memref<10240x128xf32, #tpu.memory_space<vmem_shared>> -> memref<10240x128xf32, #tpu.memory_space<vmem_shared>>
      tpu.enqueue_indirect_dma source(%arg7 : memref<80x128xf32, #tpu.memory_space<vmem>>) target(%dma_start3A_95 : memref<10240x128xf32, #tpu.memory_space<vmem_shared>>) offsets(%dma_start3A_92 : memref<80xi32, #tpu.memory_space<vmem>>) semaphore(%run_scoped3A_89 : memref<!tpu.dma_semaphore, #tpu.memory_space<semaphore_mem>>) {add = true}
      %dma_wait3A_96 = arith.constant 0 : i32
      %dma_wait3A_97 = tpu.memref_slice %arg6[%run_scoped3A, %dma_wait3A_96] : memref<125x80xi32, #tpu.memory_space<vmem>> -> memref<1x80xi32, #tpu.memory_space<vmem>>
      %dma_wait3A_98 = tpu.memref_squeeze %dma_wait3A_97 : memref<1x80xi32, #tpu.memory_space<vmem>> -> memref<80xi32, #tpu.memory_space<vmem>>
      %dma_wait3A_99 = arith.constant 0 : i32
      %dma_wait3A_100 = arith.constant 0 : i32
      %dma_wait3A_101 = tpu.memref_slice %arg12[%dma_wait3A_99, %dma_wait3A_100] : memref<10240x128xf32, #tpu.memory_space<vmem_shared>> -> memref<10240x128xf32, #tpu.memory_space<vmem_shared>>
      tpu.wait_indirect_dma semaphore(%run_scoped3A_89 : memref<!tpu.dma_semaphore, #tpu.memory_space<semaphore_mem>>) src(%arg7 : memref<80x128xf32, #tpu.memory_space<vmem>>) dst(%dma_wait3A_101 : memref<10240x128xf32, #tpu.memory_space<vmem_shared>>)
      tpu.yield
    }) : () -> ()
    %barrier3A_38 = arith.constant 0 : index
    tpu.barrier barrier_id(%barrier3A_38)
    %scan3A_39 = arith.constant 0 : i32
    %scan3A_40 = arith.constant 0 : i32
    %scan3A_41 = arith.constant 8 : i32
    %scan3A_42 = arith.addi %scan3A_40, %scan3A_41 : i32
    %scan3A_43 = arith.constant 1 : i32
    scf.for %scan3A_89 = %scan3A_40 to %scan3A_42 step %scan3A_43  : i32 {
      %mul3A_90 = arith.constant 80 : i32
      %mul3A_91 = arith.muli %scan3A_89, %mul3A_90 : i32
      %add3A_92 = arith.addi %mul3A_2, %mul3A_91 : i32
      %mul3A_93 = arith.constant 80 : i32
      %mul3A_94 = arith.muli %scan3A_89, %mul3A_93 : i32
      %add3A_95 = arith.addi %add3A_5, %mul3A_94 : i32
      %dma_start3A_96 = arith.constant 0 : i32
      %dma_start3A_97 = tpu.memref_slice %arg4[%add3A_95, %dma_start3A_96] : memref<20480x128xf32, #tpu.memory_space<hbm>> -> memref<80x128xf32, #tpu.memory_space<hbm>>
      %dma_start3A_98 = arith.constant 0 : i32
      %dma_start3A_99 = tpu.memref_slice %arg12[%add3A_92, %dma_start3A_98] : memref<10240x128xf32, #tpu.memory_space<vmem_shared>> -> memref<80x128xf32, #tpu.memory_space<vmem_shared>>
      tpu.enqueue_dma source(%dma_start3A_99 : memref<80x128xf32, #tpu.memory_space<vmem_shared>>) target(%dma_start3A_97 : memref<80x128xf32, #tpu.memory_space<hbm>>) target_semaphore(%arg11 : memref<!tpu.dma_semaphore, #tpu.memory_space<semaphore_mem>>)
    }
    %scan3A_44 = arith.constant 8 : i32
    %scan3A_45 = arith.constant 0 : i32
    %scan3A_46 = arith.constant 0 : i32
    %scan3A_47 = arith.constant 8 : i32
    %scan3A_48 = arith.addi %scan3A_46, %scan3A_47 : i32
    %scan3A_49 = arith.constant 1 : i32
    scf.for %scan3A_89 = %scan3A_46 to %scan3A_48 step %scan3A_49  : i32 {
      %mul3A_90 = arith.constant 80 : i32
      %mul3A_91 = arith.muli %scan3A_89, %mul3A_90 : i32
      %add3A_92 = arith.addi %mul3A_2, %mul3A_91 : i32
      %mul3A_93 = arith.constant 80 : i32
      %mul3A_94 = arith.muli %scan3A_89, %mul3A_93 : i32
      %add3A_95 = arith.addi %add3A_5, %mul3A_94 : i32
      %dma_wait3A_96 = arith.constant 0 : i32
      %dma_wait3A_97 = tpu.memref_slice %arg4[%add3A_95, %dma_wait3A_96] : memref<20480x128xf32, #tpu.memory_space<hbm>> -> memref<80x128xf32, #tpu.memory_space<hbm>>
      %dma_wait3A_98 = arith.constant 0 : i32
      %dma_wait3A_99 = tpu.memref_slice %arg12[%add3A_92, %dma_wait3A_98] : memref<10240x128xf32, #tpu.memory_space<vmem_shared>> -> memref<80x128xf32, #tpu.memory_space<vmem_shared>>
      tpu.wait_dma2 semaphore(%arg11 : memref<!tpu.dma_semaphore, #tpu.memory_space<semaphore_mem>>) src(%dma_wait3A_99 : memref<80x128xf32, #tpu.memory_space<vmem_shared>>) dst(%dma_wait3A_97 : memref<80x128xf32, #tpu.memory_space<hbm>>)
    }
    %scan3A_50 = arith.constant 8 : i32
    %scan3A_51 = arith.constant 0 : i32
    %scan3A_52 = arith.constant 0 : i32
    %scan3A_53 = arith.constant 80 : i32
    %scan3A_54 = arith.addi %scan3A_52, %scan3A_53 : i32
    %scan3A_55 = arith.constant 1 : i32
    scf.for %scan3A_89 = %scan3A_52 to %scan3A_54 step %scan3A_55  : i32 {
      %swap3A = arith.index_cast %scan3A_89 : i32 to index
      %swap3A_90 = arith.constant 0 : index
      %swap3A_91 = tpu.vector_load %arg7[%swap3A, %swap3A_90] {strides = array<i32>} : memref<80x128xf32, #tpu.memory_space<vmem>>, vector<1x16xf32>,
      %swap3A_92 = vector.shape_cast %swap3A_91 : vector<1x16xf32> to vector<16xf32>
      %swap3A_93 = vector.shape_cast %broadcast_in_dim3A_8 : vector<16xf32> to vector<1x16xf32>
      tpu.vector_store %arg7[%swap3A, %swap3A_90], %swap3A_93 {strides = array<i32>} : memref<80x128xf32, #tpu.memory_space<vmem>>, vector<1x16xf32>,
      %swap3A_94 = arith.index_cast %scan3A_89 : i32 to index
      %swap3A_95 = arith.constant 16 : index
      %swap3A_96 = tpu.vector_load %arg7[%swap3A_94, %swap3A_95] {strides = array<i32>} : memref<80x128xf32, #tpu.memory_space<vmem>>, vector<1x16xf32>,
      %swap3A_97 = vector.shape_cast %swap3A_96 : vector<1x16xf32> to vector<16xf32>
      %swap3A_98 = vector.shape_cast %broadcast_in_dim3A_8 : vector<16xf32> to vector<1x16xf32>
      tpu.vector_store %arg7[%swap3A_94, %swap3A_95], %swap3A_98 {strides = array<i32>} : memref<80x128xf32, #tpu.memory_space<vmem>>, vector<1x16xf32>,
      %swap3A_99 = arith.index_cast %scan3A_89 : i32 to index
      %swap3A_100 = arith.constant 32 : index
      %swap3A_101 = tpu.vector_load %arg7[%swap3A_99, %swap3A_100] {strides = array<i32>} : memref<80x128xf32, #tpu.memory_space<vmem>>, vector<1x16xf32>,
      %swap3A_102 = vector.shape_cast %swap3A_101 : vector<1x16xf32> to vector<16xf32>
      %swap3A_103 = vector.shape_cast %broadcast_in_dim3A_8 : vector<16xf32> to vector<1x16xf32>
      tpu.vector_store %arg7[%swap3A_99, %swap3A_100], %swap3A_103 {strides = array<i32>} : memref<80x128xf32, #tpu.memory_space<vmem>>, vector<1x16xf32>,
      %swap3A_104 = arith.index_cast %scan3A_89 : i32 to index
      %swap3A_105 = arith.constant 48 : index
      %swap3A_106 = tpu.vector_load %arg7[%swap3A_104, %swap3A_105] {strides = array<i32>} : memref<80x128xf32, #tpu.memory_space<vmem>>, vector<1x16xf32>,
      %swap3A_107 = vector.shape_cast %swap3A_106 : vector<1x16xf32> to vector<16xf32>
      %swap3A_108 = vector.shape_cast %broadcast_in_dim3A_8 : vector<16xf32> to vector<1x16xf32>
      tpu.vector_store %arg7[%swap3A_104, %swap3A_105], %swap3A_108 {strides = array<i32>} : memref<80x128xf32, #tpu.memory_space<vmem>>, vector<1x16xf32>,
      %swap3A_109 = arith.index_cast %scan3A_89 : i32 to index
      %swap3A_110 = arith.constant 64 : index
      %swap3A_111 = tpu.vector_load %arg7[%swap3A_109, %swap3A_110] {strides = array<i32>} : memref<80x128xf32, #tpu.memory_space<vmem>>, vector<1x16xf32>,
      %swap3A_112 = vector.shape_cast %swap3A_111 : vector<1x16xf32> to vector<16xf32>
      %swap3A_113 = vector.shape_cast %broadcast_in_dim3A_8 : vector<16xf32> to vector<1x16xf32>
      tpu.vector_store %arg7[%swap3A_109, %swap3A_110], %swap3A_113 {strides = array<i32>} : memref<80x128xf32, #tpu.memory_space<vmem>>, vector<1x16xf32>,
      %swap3A_114 = arith.index_cast %scan3A_89 : i32 to index
      %swap3A_115 = arith.constant 80 : index
      %swap3A_116 = tpu.vector_load %arg7[%swap3A_114, %swap3A_115] {strides = array<i32>} : memref<80x128xf32, #tpu.memory_space<vmem>>, vector<1x16xf32>,
      %swap3A_117 = vector.shape_cast %swap3A_116 : vector<1x16xf32> to vector<16xf32>
      %swap3A_118 = vector.shape_cast %broadcast_in_dim3A_8 : vector<16xf32> to vector<1x16xf32>
      tpu.vector_store %arg7[%swap3A_114, %swap3A_115], %swap3A_118 {strides = array<i32>} : memref<80x128xf32, #tpu.memory_space<vmem>>, vector<1x16xf32>,
      %swap3A_119 = arith.index_cast %scan3A_89 : i32 to index
      %swap3A_120 = arith.constant 96 : index
      %swap3A_121 = tpu.vector_load %arg7[%swap3A_119, %swap3A_120] {strides = array<i32>} : memref<80x128xf32, #tpu.memory_space<vmem>>, vector<1x16xf32>,
      %swap3A_122 = vector.shape_cast %swap3A_121 : vector<1x16xf32> to vector<16xf32>
      %swap3A_123 = vector.shape_cast %broadcast_in_dim3A_8 : vector<16xf32> to vector<1x16xf32>
      tpu.vector_store %arg7[%swap3A_119, %swap3A_120], %swap3A_123 {strides = array<i32>} : memref<80x128xf32, #tpu.memory_space<vmem>>, vector<1x16xf32>,
      %swap3A_124 = arith.index_cast %scan3A_89 : i32 to index
      %swap3A_125 = arith.constant 112 : index
      %swap3A_126 = tpu.vector_load %arg7[%swap3A_124, %swap3A_125] {strides = array<i32>} : memref<80x128xf32, #tpu.memory_space<vmem>>, vector<1x16xf32>,
      %swap3A_127 = vector.shape_cast %swap3A_126 : vector<1x16xf32> to vector<16xf32>
      %swap3A_128 = vector.shape_cast %broadcast_in_dim3A_8 : vector<16xf32> to vector<1x16xf32>
      tpu.vector_store %arg7[%swap3A_124, %swap3A_125], %swap3A_128 {strides = array<i32>} : memref<80x128xf32, #tpu.memory_space<vmem>>, vector<1x16xf32>,
    }
    %scan3A_56 = arith.constant 80 : i32
    %scan3A_57 = arith.constant 0 : i32
    %scan3A_58 = arith.constant 0 : i32
    %scan3A_59 = arith.constant 8 : i32
    %scan3A_60 = arith.addi %scan3A_58, %scan3A_59 : i32
    %scan3A_61 = arith.constant 1 : i32
    scf.for %scan3A_89 = %scan3A_58 to %scan3A_60 step %scan3A_61  : i32 {
      %mul3A_90 = arith.constant 80 : i32
      %mul3A_91 = arith.muli %scan3A_89, %mul3A_90 : i32
      %add3A_92 = arith.addi %mul3A_2, %mul3A_91 : i32
      "tpu.region"() ({
        %run_scoped3A_93 = tpu.sem_alloc : memref<!tpu.dma_semaphore, #tpu.memory_space<semaphore_mem>>
        %dma_start3A_94 = arith.constant 0 : i32
        %dma_start3A_95 = tpu.memref_slice %arg12[%add3A_92, %dma_start3A_94] : memref<10240x128xf32, #tpu.memory_space<vmem_shared>> -> memref<80x128xf32, #tpu.memory_space<vmem_shared>>
        %dma_start3A_96 = arith.constant 0 : i32
        %dma_start3A_97 = tpu.memref_slice %arg12[%add3A_92, %dma_start3A_96] : memref<10240x128xf32, #tpu.memory_space<vmem_shared>> -> memref<80x128xf32, #tpu.memory_space<vmem_shared>>
        tpu.enqueue_dma source(%arg7 : memref<80x128xf32, #tpu.memory_space<vmem>>) target(%dma_start3A_97 : memref<80x128xf32, #tpu.memory_space<vmem_shared>>) target_semaphore(%run_scoped3A_93 : memref<!tpu.dma_semaphore, #tpu.memory_space<semaphore_mem>>)
        %dma_wait3A_98 = arith.constant 0 : i32
        %dma_wait3A_99 = tpu.memref_slice %arg12[%add3A_92, %dma_wait3A_98] : memref<10240x128xf32, #tpu.memory_space<vmem_shared>> -> memref<80x128xf32, #tpu.memory_space<vmem_shared>>
        %dma_wait3A_100 = arith.constant 0 : i32
        %dma_wait3A_101 = tpu.memref_slice %arg12[%add3A_92, %dma_wait3A_100] : memref<10240x128xf32, #tpu.memory_space<vmem_shared>> -> memref<80x128xf32, #tpu.memory_space<vmem_shared>>
        tpu.wait_dma2 semaphore(%run_scoped3A_93 : memref<!tpu.dma_semaphore, #tpu.memory_space<semaphore_mem>>) src(%arg7 : memref<80x128xf32, #tpu.memory_space<vmem>>) dst(%dma_wait3A_101 : memref<80x128xf32, #tpu.memory_space<vmem_shared>>)
        tpu.yield
      }) : () -> ()
    }
    %scan3A_62 = arith.constant 8 : i32
    %barrier3A_63 = arith.constant 0 : index
    tpu.barrier barrier_id(%barrier3A_63)
    %scan3A_64 = arith.constant 0 : i32
    %scan3A_65 = arith.constant 0 : i32
    %scan3A_66 = arith.constant 125 : i32
    %scan3A_67 = arith.addi %scan3A_65, %scan3A_66 : i32
    %scan3A_68 = arith.constant 1 : i32
    scf.for %scan3A_89 = %scan3A_65 to %scan3A_67 step %scan3A_68  : i32 {
      %dma_start3A_90 = arith.constant 0 : i32
      %dma_start3A_91 = tpu.memref_slice %arg6[%scan3A_89, %dma_start3A_90] : memref<125x80xi32, #tpu.memory_space<vmem>> -> memref<1x80xi32, #tpu.memory_space<vmem>>
      %dma_start3A_92 = tpu.memref_squeeze %dma_start3A_91 : memref<1x80xi32, #tpu.memory_space<vmem>> -> memref<80xi32, #tpu.memory_space<vmem>>
      %dma_start3A_93 = arith.constant 0 : i32
      %dma_start3A_94 = arith.constant 0 : i32
      %dma_start3A_95 = tpu.memref_slice %arg12[%dma_start3A_93, %dma_start3A_94] : memref<10240x128xf32, #tpu.memory_space<vmem_shared>> -> memref<10240x128xf32, #tpu.memory_space<vmem_shared>>
      tpu.enqueue_indirect_dma source(%arg9 : memref<80x128xf32, #tpu.memory_space<vmem>>) target(%dma_start3A_95 : memref<10240x128xf32, #tpu.memory_space<vmem_shared>>) offsets(%dma_start3A_92 : memref<80xi32, #tpu.memory_space<vmem>>) semaphore(%arg10 : memref<!tpu.dma_semaphore, #tpu.memory_space<semaphore_mem>>) {add = true}
    }
    %scan3A_69 = arith.constant 125 : i32
    %scan3A_70 = arith.constant 0 : i32
    %scan3A_71 = arith.constant 0 : i32
    %scan3A_72 = arith.constant 125 : i32
    %scan3A_73 = arith.addi %scan3A_71, %scan3A_72 : i32
    %scan3A_74 = arith.constant 1 : i32
    scf.for %scan3A_89 = %scan3A_71 to %scan3A_73 step %scan3A_74  : i32 {
      %dma_wait3A_90 = arith.constant 0 : i32
      %dma_wait3A_91 = tpu.memref_slice %arg6[%scan3A_89, %dma_wait3A_90] : memref<125x80xi32, #tpu.memory_space<vmem>> -> memref<1x80xi32, #tpu.memory_space<vmem>>
      %dma_wait3A_92 = tpu.memref_squeeze %dma_wait3A_91 : memref<1x80xi32, #tpu.memory_space<vmem>> -> memref<80xi32, #tpu.memory_space<vmem>>
      %dma_wait3A_93 = arith.constant 0 : i32
      %dma_wait3A_94 = arith.constant 0 : i32
      %dma_wait3A_95 = tpu.memref_slice %arg12[%dma_wait3A_93, %dma_wait3A_94] : memref<10240x128xf32, #tpu.memory_space<vmem_shared>> -> memref<10240x128xf32, #tpu.memory_space<vmem_shared>>
      tpu.wait_indirect_dma semaphore(%arg10 : memref<!tpu.dma_semaphore, #tpu.memory_space<semaphore_mem>>) src(%arg9 : memref<80x128xf32, #tpu.memory_space<vmem>>) dst(%dma_wait3A_95 : memref<10240x128xf32, #tpu.memory_space<vmem_shared>>)
    }
    %scan3A_75 = arith.constant 125 : i32
    %barrier3A_76 = arith.constant 0 : index
    tpu.barrier barrier_id(%barrier3A_76)
    %scan3A_77 = arith.constant 0 : i32
    %scan3A_78 = arith.constant 0 : i32
    %scan3A_79 = arith.constant 8 : i32
    %scan3A_80 = arith.addi %scan3A_78, %scan3A_79 : i32
    %scan3A_81 = arith.constant 1 : i32
    scf.for %scan3A_89 = %scan3A_78 to %scan3A_80 step %scan3A_81  : i32 {
      %mul3A_90 = arith.constant 80 : i32
      %mul3A_91 = arith.muli %scan3A_89, %mul3A_90 : i32
      %add3A_92 = arith.addi %mul3A_2, %mul3A_91 : i32
      %mul3A_93 = arith.constant 80 : i32
      %mul3A_94 = arith.muli %scan3A_89, %mul3A_93 : i32
      %add3A_95 = arith.addi %add3A_5, %mul3A_94 : i32
      %dma_start3A_96 = arith.constant 0 : i32
      %dma_start3A_97 = tpu.memref_slice %arg5[%add3A_95, %dma_start3A_96] : memref<20480x128xf32, #tpu.memory_space<hbm>> -> memref<80x128xf32, #tpu.memory_space<hbm>>
      %dma_start3A_98 = arith.constant 0 : i32
      %dma_start3A_99 = tpu.memref_slice %arg12[%add3A_92, %dma_start3A_98] : memref<10240x128xf32, #tpu.memory_space<vmem_shared>> -> memref<80x128xf32, #tpu.memory_space<vmem_shared>>
      tpu.enqueue_dma source(%dma_start3A_99 : memref<80x128xf32, #tpu.memory_space<vmem_shared>>) target(%dma_start3A_97 : memref<80x128xf32, #tpu.memory_space<hbm>>) target_semaphore(%arg11 : memref<!tpu.dma_semaphore, #tpu.memory_space<semaphore_mem>>)
    }
    %scan3A_82 = arith.constant 8 : i32
    %scan3A_83 = arith.constant 0 : i32
    %scan3A_84 = arith.constant 0 : i32
    %scan3A_85 = arith.constant 8 : i32
    %scan3A_86 = arith.addi %scan3A_84, %scan3A_85 : i32
    %scan3A_87 = arith.constant 1 : i32
    scf.for %scan3A_89 = %scan3A_84 to %scan3A_86 step %scan3A_87  : i32 {
      %mul3A_90 = arith.constant 80 : i32
      %mul3A_91 = arith.muli %scan3A_89, %mul3A_90 : i32
      %add3A_92 = arith.addi %mul3A_2, %mul3A_91 : i32
      %mul3A_93 = arith.constant 80 : i32
      %mul3A_94 = arith.muli %scan3A_89, %mul3A_93 : i32
      %add3A_95 = arith.addi %add3A_5, %mul3A_94 : i32
      %dma_wait3A_96 = arith.constant 0 : i32
      %dma_wait3A_97 = tpu.memref_slice %arg5[%add3A_95, %dma_wait3A_96] : memref<20480x128xf32, #tpu.memory_space<hbm>> -> memref<80x128xf32, #tpu.memory_space<hbm>>
      %dma_wait3A_98 = arith.constant 0 : i32
      %dma_wait3A_99 = tpu.memref_slice %arg12[%add3A_92, %dma_wait3A_98] : memref<10240x128xf32, #tpu.memory_space<vmem_shared>> -> memref<80x128xf32, #tpu.memory_space<vmem_shared>>
      tpu.wait_dma2 semaphore(%arg11 : memref<!tpu.dma_semaphore, #tpu.memory_space<semaphore_mem>>) src(%dma_wait3A_99 : memref<80x128xf32, #tpu.memory_space<vmem_shared>>) dst(%dma_wait3A_97 : memref<80x128xf32, #tpu.memory_space<hbm>>)
    }
    %scan3A_88 = arith.constant 8 : i32
    return
  }
}

module attributes {stable_mosaic.version = 14 : i64} {
  func.func @body(%arg0: i32, %arg1: memref<2x1000x128xf32, #tpu.memory_space<vmem>>, %arg2: memref<2x1000x128xf32, #tpu.memory_space<vmem>>, %arg3: memref<1000x128xf32, #tpu.memory_space<vmem>>, %arg4: memref<1x128xf32, #tpu.memory_space<vmem>>, %arg5: memref<1000x384xf32, #tpu.memory_space<vmem>>) attributes {dimension_semantics = [#tpu.dimension_semantics<arbitrary>], iteration_bounds = array<i64: 10>, scalar_prefetch = 0 : i64, scratch_operands = 0 : i64, tpu.core_type = #tpu.core_type<tc>, window_params = [{transform_indices = @transform_0, window_bounds = array<i64: 2, 1000, 128>}, {transform_indices = @transform_1, window_bounds = array<i64: 2, 1000, 128>}, {transform_indices = @transform_2, window_bounds = array<i64: 1000, 128>}, {pipeline_mode = #tpu.pipeline_mode<synchronous>, transform_indices = @transform_3, window_bounds = array<i64: 1, 128>}, {transform_indices = @transform_4, window_bounds = array<i64: 1000, 384>}]} {
    %get3A = arith.constant 0 : index
    %get3A_0 = arith.constant 0 : index
    %get3A_1 = arith.constant 0 : index
    %get3A_2 = vector.load %arg1[%get3A, %get3A_0, %get3A_1] : memref<2x1000x128xf32, #tpu.memory_space<vmem>>, vector<1x1000x128xf32>
    %get3A_3 = vector.shape_cast %get3A_2 : vector<1x1000x128xf32> to vector<1000x128xf32>
    %get3A_4 = arith.constant 1 : index
    %get3A_5 = arith.constant 0 : index
    %get3A_6 = arith.constant 0 : index
    %get3A_7 = vector.load %arg1[%get3A_4, %get3A_5, %get3A_6] : memref<2x1000x128xf32, #tpu.memory_space<vmem>>, vector<1x1000x128xf32>
    %get3A_8 = vector.shape_cast %get3A_7 : vector<1x1000x128xf32> to vector<1000x128xf32>
    %add3A = arith.addf %get3A_3, %get3A_8 : vector<1000x128xf32>
    %get3A_9 = arith.constant 0 : index
    %get3A_10 = arith.constant 0 : index
    %get3A_11 = arith.constant 0 : index
    %get3A_12 = vector.load %arg2[%get3A_9, %get3A_10, %get3A_11] : memref<2x1000x128xf32, #tpu.memory_space<vmem>>, vector<1x1000x128xf32>
    %get3A_13 = vector.shape_cast %get3A_12 : vector<1x1000x128xf32> to vector<1000x128xf32>
    %get3A_14 = arith.constant 1 : index
    %get3A_15 = arith.constant 0 : index
    %get3A_16 = arith.constant 0 : index
    %get3A_17 = vector.load %arg2[%get3A_14, %get3A_15, %get3A_16] : memref<2x1000x128xf32, #tpu.memory_space<vmem>>, vector<1x1000x128xf32>
    %get3A_18 = vector.shape_cast %get3A_17 : vector<1x1000x128xf32> to vector<1000x128xf32>
    %add3A_19 = arith.addf %get3A_13, %get3A_18 : vector<1000x128xf32>
    %slice3A = vector.extract_strided_slice %add3A_19 {offsets = [0, 0], sizes = [1000, 1], strides = [1, 1]} : vector<1000x128xf32> to vector<1000x1xf32>
    %max3A = arith.constant 1.000000e+00 : f32
    %max3A_20 = vector.broadcast %max3A : f32 to vector<1000x1xf32>
    %max3A_21 = arith.maximumf %slice3A, %max3A_20 : vector<1000x1xf32>
    %div3A = vector.broadcast %max3A_21 : vector<1000x1xf32> to vector<1000x128xf32>
    %div3A_22 = arith.divf %add3A, %div3A : vector<1000x128xf32>
    %swap3A = arith.constant 0 : index
    %swap3A_23 = arith.constant 0 : index
    %swap3A_24 = vector.load %arg5[%swap3A, %swap3A_23] : memref<1000x384xf32, #tpu.memory_space<vmem>>, vector<1000x128xf32>
    tpu.vector_store %arg5[%swap3A, %swap3A_23], %div3A_22 {strides = array<i32>} : memref<1000x384xf32, #tpu.memory_space<vmem>>, vector<1000x128xf32>,
    %get3A_25 = arith.constant 0 : index
    %get3A_26 = arith.constant 0 : index
    %get3A_27 = vector.load %arg3[%get3A_25, %get3A_26] : memref<1000x128xf32, #tpu.memory_space<vmem>>, vector<1000x128xf32>
    %swap3A_28 = arith.constant 0 : index
    %swap3A_29 = arith.constant 128 : index
    %swap3A_30 = vector.load %arg5[%swap3A_28, %swap3A_29] : memref<1000x384xf32, #tpu.memory_space<vmem>>, vector<1000x128xf32>
    tpu.vector_store %arg5[%swap3A_28, %swap3A_29], %get3A_27 {strides = array<i32>} : memref<1000x384xf32, #tpu.memory_space<vmem>>, vector<1000x128xf32>,
    %get3A_31 = arith.constant 0 : index
    %get3A_32 = arith.constant 0 : index
    %get3A_33 = vector.load %arg4[%get3A_31, %get3A_32] : memref<1x128xf32, #tpu.memory_space<vmem>>, vector<1x128xf32>
    %broadcast_in_dim3A = vector.shape_cast %get3A_33 : vector<1x128xf32> to vector<1x128xf32>
    %broadcast_in_dim3A_34 = vector.broadcast %broadcast_in_dim3A : vector<1x128xf32> to vector<1000x128xf32>
    %swap3A_35 = arith.constant 0 : index
    %swap3A_36 = arith.constant 256 : index
    %swap3A_37 = vector.load %arg5[%swap3A_35, %swap3A_36] : memref<1000x384xf32, #tpu.memory_space<vmem>>, vector<1000x128xf32>
    tpu.vector_store %arg5[%swap3A_35, %swap3A_36], %broadcast_in_dim3A_34 {strides = array<i32>} : memref<1000x384xf32, #tpu.memory_space<vmem>>, vector<1000x128xf32>,
    return
  }
  func.func @transform_0(%arg0: i32) -> (i32, i32, i32) {
    %c0_i32 = arith.constant 0 : i32
    %c0_i32_0 = arith.constant 0 : i32
    %c0_i32_1 = arith.constant 0 : i32
    return %c0_i32, %arg0, %c0_i32_0 : i32, i32, i32
  }
  func.func @transform_1(%arg0: i32) -> (i32, i32, i32) {
    %c0_i32 = arith.constant 0 : i32
    %c0_i32_0 = arith.constant 0 : i32
    %c0_i32_1 = arith.constant 0 : i32
    return %c0_i32, %arg0, %c0_i32_0 : i32, i32, i32
  }
  func.func @transform_2(%arg0: i32) -> (i32, i32) {
    %c0_i32 = arith.constant 0 : i32
    %c0_i32_0 = arith.constant 0 : i32
    return %arg0, %c0_i32 : i32, i32
  }
  func.func @transform_3(%arg0: i32) -> (i32, i32) {
    %c0_i32 = arith.constant 0 : i32
    %c0_i32_0 = arith.constant 0 : i32
    %c0_i32_1 = arith.constant 0 : i32
    return %c0_i32, %c0_i32_0 : i32, i32
  }
  func.func @transform_4(%arg0: i32) -> (i32, i32) {
    %c0_i32 = arith.constant 0 : i32
    %c0_i32_0 = arith.constant 0 : i32
    return %arg0, %c0_i32 : i32, i32
  }
}

</mosaic_0001>

<sc_bundles>
// kernel: kernel.4.cloned.1.call-start
scs
__scs_entry_jumppad:
0x0: {  	(pc) =	sbr.rel $0x88, $3  }
0x1: {  	(tag) =	ssettag $0x0;
	lr =	simm.s32 $0x1  }
0x2: {  	[smem:$0x3F9D] =	sst lr;
	_ =	strace $0xD0000000  }
0x3: {  	_ = 	snop  }
0x4: {  	_ = 	snop  }
0x5: {  	_ = 	snop  }
0x6: {  	_ = 	snop  }
0x7: {  	_ = 	snop  }
__scs_overlays_trampoline_lowered:
0x8: {  	[smem:$0x3FAC] =	sst s0  }
0x9: {  	[smem:$0x3FAD] =	sst s1  }
0xa: {  	[smem:$0x3FAE] =	sst s2  }
0xb: {  	[smem:$0x3FAF] =	sst s3  }
0xc: {  	[smem:$0x3FB0] =	sst s4  }
0xd: {  	[smem:$0x3FB1] =	sst s5  }
0xe: {  	[smem:$0x3FB2] =	sst s6  }
0xf: {  	[smem:$0x3FB3] =	sst s7  }
0x10: {  	[smem:$0x3FB4] =	sst s8  }
0x11: {  	[smem:$0x3FB5] =	sst s9;
	s0 =	simm.s32 @!p0 $0x0  }
0x12: {  	s1 =	sld [smem:$0x3F9B];
	s0 =	simm.s32 @p0 $0x1  }
0x13: {  	[smem:$0x3FB6] =	sst s0;
	s0 =	simm.s32 @!p1 $0x0  }
0x14: {  	s2 =	sld [smem:$0x3F9A];
	s0 =	simm.s32 @p1 $0x1  }
0x15: {  	[smem:$0x3FB7] =	sst s0;
	s0 =	simm.s32 @!p2 $0x0  }
0x16: {  	s3 =	sld [smem:$0x3FDB];
	s0 =	simm.s32 @p2 $0x1  }
0x17: {  	s4 =	simm.s32 $0x1BF5;
	[smem:$0x3FB9] =	sst s0  }
0x18: {  	s0 =	sld [smem:$0x3F9C];
	_ =	swait.ge [sflag:s4], $0x0  }
0x19: {  	s7 =	sld [smem:$0x3F9D]  }
0x1a: {  	s8 =	sadd.s32 $0xFFFFE003, lr  }
0x1b: {  	s9 =	sadd.s32 $0xFFFFFEF7, lr;
	s5 =	simm.s32 $0xFFFFFFFF;
	p2 =	slt.u32 s8, $0xFFFFF086  }
0x1c: {  	p1 =	slt.u32 s9, $0xF7A;
	s5 =	simm.s32 @!p2 $0x0  }
0x1d: {  	s5 =	simm.s32 @p1 $0x1;
	p0 =	seq.s32 s7, s2  }
0x1e: {  	s7 =	smul.u32 @!p0 $0xF7A, s2;
	p2 =	seq.s32 @!p0 s5, $0x0  }
0x1f: {  	s9 =	smul.u32 $0xF7A, s1;
	s8 =	simm.s32 @!p0 $0x1BF5;
	p2 =	por !p2, p0  }
0x20: {  	[sflag:s8] =	ssyncset.s32 @!p0 $0xFFFFF086;
	s6 =	sadd.s32 @!p0 s3, s7;
	s7 =	simm.s32 @!p0 $0x108  }
0x21: {  	s3 =	sadd.s32 s3, s9;
	s6 =	sadd.s32 @!p0 $0x88, s6;
	s7 =	simm.s32 @p2 $0x1082  }
0x22: {  	[simem:s7], [sflag:s8] =	dma.local @!p0 [hbm:s6], $0xF7A  }
0x23: {  	s9 =	sor.u32 $0xD0000000, s2;
	s6 =	simm.s32 $0x108;
	_ =	swait.ge @!p0 [sflag:s8], $0x0  }
0x24: {  	s3 =	sadd.s32 $0x88, s3;
	s6 =	simm.s32 @!p1 $0x1082;
	[sflag:s4] =	ssyncset.s32 $0xFFFFF086  }
0x25: {  	[simem:s6], [sflag:s4] =	dma.local [hbm:s3], $0xF7A  }
0x26: {  	[smem:$0x3F9D] =	sst s1;
	(tag) =	ssettag s2;
	_ =	strace s9  }
0x27: {  	s1 =	sld [smem:$0x3FAD]  }
0x28: {  	s2 =	sld [smem:$0x3FAE]  }
0x29: {  	s4 =	sld [smem:$0x3FB0]  }
0x2a: {  	p0 =	seq.s32 s5, $0x0;
	s5 =	sld [smem:$0x3FB1]  }
0x2b: {  	s6 =	sld [smem:$0x3FB2]  }
0x2c: {  	s7 =	sld [smem:$0x3FB3]  }
0x2d: {  	s3 =	simm.s32 $0x108;
	s8 =	sld [smem:$0x3FB4]  }
0x2e: {  	s3 =	simm.s32 @!p0 $0x1082;
	s9 =	sld [smem:$0x3FB5]  }
0x2f: {  	lr =	sadd.s32 s0, s3;
	s0 =	sld [smem:$0x3FAC]  }
0x30: {  	s3 =	sld [smem:$0x3FAF]  }
0x31: {  	[smem:$0x3FB8] =	sst s10  }
0x32: {  	s10 =	sld [smem:$0x3FB6];
	_ =	sdelay $0x3  }
0x33: {  	p0 =	seq.s32 s10, $0x1;
	s10 =	sld [smem:$0x3FB8];
	_ =	sdelay $0x3  }
0x34: {  	[smem:$0x3FB8] =	sst s10  }
0x35: {  	s10 =	sld [smem:$0x3FB7];
	_ =	sdelay $0x3  }
0x36: {  	p1 =	seq.s32 s10, $0x1;
	s10 =	sld [smem:$0x3FB8];
	_ =	sdelay $0x3  }
0x37: {  	[smem:$0x3FB8] =	sst s10  }
0x38: {  	s10 =	sld [smem:$0x3FB9]  }
0x39: {  	_ = 	snop;
	(pc) =	sbr.ind lr, $3  }
0x3a: {  	_ = 	snop  }
0x3b: {  	_ = 	snop  }
0x3c: {  	p2 =	seq.s32 s10, $0x1;
	s10 =	sld [smem:$0x3FB8]  }
0x3d: {  	_ =	shalt  }
0x3e: {  	_ =	shalt  }
0x3f: {  	_ =	shalt  }
0x40: {  	_ =	shalt  }
0x41: {  	_ =	shalt  }
0x42: {  	_ =	shalt  }
0x43: {  	_ =	shalt  }
0x44: {  	_ =	shalt  }
0x45: {  	_ =	shalt  }
0x46: {  	_ =	shalt  }
0x47: {  	_ =	shalt  }
0x48: {  	_ =	shalt  }
0x49: {  	_ =	shalt  }
0x4a: {  	_ =	shalt  }
0x4b: {  	_ =	shalt  }
0x4c: {  	_ =	shalt  }
0x4d: {  	_ =	shalt  }
0x4e: {  	_ =	shalt  }
0x4f: {  	_ =	shalt  }
0x50: {  	_ =	shalt  }
0x51: {  	_ =	shalt  }
0x52: {  	_ =	shalt  }
0x53: {  	_ =	shalt  }
0x54: {  	_ =	shalt  }
0x55: {  	_ =	shalt  }
0x56: {  	_ =	shalt  }
0x57: {  	_ =	shalt  }
0x58: {  	_ =	shalt  }
0x59: {  	_ =	shalt  }
0x5a: {  	_ =	shalt  }
0x5b: {  	_ =	shalt  }
0x5c: {  	_ =	shalt  }
0x5d: {  	_ =	shalt  }
0x5e: {  	_ =	shalt  }
0x5f: {  	_ =	shalt  }
0x60: {  	_ =	shalt  }
0x61: {  	_ =	shalt  }
0x62: {  	_ =	shalt  }
0x63: {  	_ =	shalt  }
0x64: {  	_ =	shalt  }
0x65: {  	_ =	shalt  }
0x66: {  	_ =	shalt  }
0x67: {  	_ =	shalt  }
0x68: {  	_ =	shalt  }
0x69: {  	_ =	shalt  }
0x6a: {  	_ =	shalt  }
0x6b: {  	_ =	shalt  }
0x6c: {  	_ =	shalt  }
0x6d: {  	_ =	shalt  }
0x6e: {  	_ =	shalt  }
0x6f: {  	_ =	shalt  }
0x70: {  	_ =	shalt  }
0x71: {  	_ =	shalt  }
0x72: {  	_ =	shalt  }
0x73: {  	_ =	shalt  }
0x74: {  	_ =	shalt  }
0x75: {  	_ =	shalt  }
0x76: {  	_ =	shalt  }
0x77: {  	_ =	shalt  }
0x78: {  	_ =	shalt  }
0x79: {  	_ =	shalt  }
0x7a: {  	_ =	shalt  }
0x7b: {  	_ =	shalt  }
0x7c: {  	_ =	shalt  }
0x7d: {  	_ =	shalt  }
0x7e: {  	_ =	shalt  }
0x7f: {  	_ =	shalt  }
0x80: {  	_ =	shalt  }
0x81: {  	_ =	shalt  }
0x82: {  	_ =	shalt  }
0x83: {  	_ =	shalt  }
0x84: {  	_ =	shalt  }
0x85: {  	_ =	shalt  }
0x86: {  	_ =	shalt  }
0x87: {  	_ =	shalt  }
.Lfunc_end0:
.L_simem_size_0:
called_computation_lowered:
.L_overlay_start_0:
0x88: {  	s2 =	sld [smem:$0x3FD9]  }
0x89: {  	s3 =	sld [smem:$0x3FFE];
	_ =	sdelay $0x1  }
0x8a: {  	s1 =	srdreg.scid  }
0x8b: {  	s0 =	sand.u32 $0x1, s1  }
0x8c: {  	s17 =	sshll.u32 s0, $0xA;
	s2 =	sadd.s32 s3, s2  }
0x8d: {  	s2 =	sadd.s32 s2, s17  }
0x8e: {  	[smem:$0x3FC4] =	sst s2  }
0x8f: {  	_ = 	snop  }
0x90: {  	s2 =	sld [smem:$0x3FC8]  }
0x91: {  	s18 =	sld [smem:$0x3FD0];
	(tm) =	ssettm $0x1  }
0x92: {  	s4 =	sld [smem:$0x3FFB];
	_ =	sdelay $0x3  }
0x93: {  	_ =	strace s4  }
0x94: {  	s4 =	sld [smem:$0x3FFC];
	_ =	sdelay $0x3  }
0x95: {  	_ =	strace s4  }
0x96: {  	s4 =	sld [smem:$0x3FFD];
	_ =	sdelay $0x3  }
0x97: {  	_ =	strace s4  }
0x98: {  	_ =	strace $0x8FFFFFFF  }
0x99: {  	s19 =	sld [smem:$0x3FDB];
	_ =	sdelay $0x1  }
0x9a: {  	s5 =	simm.s32 $_scs_section_size  }
0x9b: {  	s6 =	simm.s32 $_size__tile_overlayer_lowered;
	s7 =	simm.s32 $_tile_overlayer_lowered  }
0x9c: {  	s22 =	simm.s32 $0x1BFF;
	s21 =	sshll.u32 s7, $0x1;
	s4 =	sadd.s32 s5, s19  }
0x9d: {  	s8 =	simm.s32 $0x0;
	s20 =	sshll.u32 s6, $0x1;
	s6 =	sadd.s32 s21, s4  }
0x9e: {  	[timem:s8], [sflag:s22] =	dma.local [hbm:s6], s20  }
0x9f: {  	_ =	swait.ge [sflag:s22], s20  }
0xa0: {  	s5 =	ssub.s32 $0x0, s20;
	[sflag:s22] =	ssyncset.done $0x0  }
0xa1: {  	[sflag:s22] =	ssyncadd.s32 s5;
	_ =	sdelay $0x1  }
0xa2: {  	s23 =	simm.s32 $0x1B8B  }
0xa3: {  	_ =	swait.ge [sflag:s23], $0x1  }
0xa4: {  	[sflag:s23] =	ssyncset.done $0x0  }
0xa5: {  	s25 =	simm.s32 $0x1B8E;
	s24 =	sld [smem:$0x3FFE];
	[sflag:s23] =	ssyncadd.s32 $0xFFFFFFFF  }
0xa6: {  	s26 =	simm.s32 $execute0_lowered;
	[smem:$0x3FD2] =	sst s25  }
0xa7: {  	s6 =	sshll.u32 s26, $0x1;
	_ =	strace $0x80000046;
	[dreg:$0x1] =	wrdreg $0xFFFFFFFF  }
0xa8: {  	s28 =	simm.s32 $_size_execute0_lowered;
	s4 =	sadd.s32 s4, s6;
	[dreg:$0x0] =	wrdreg $0x0  }
0xa9: {  	s6 =	sshll.u32 s28, $0x1;
	[dreg:$0x2] =	wrdreg s4  }
0xaa: {  	[dreg:$0x3] =	wrdreg s6  }
0xab: {  	[dreg:$0x4] =	wrdreg $0xC0  }
0xac: {  	_ =	task [dreg:s8], $0x5FFFF  }
0xad: {  	[dreg:$0x1] =	wrdreg $0xFFFFFFFF  }
0xae: {  	[dreg:$0x0] =	wrdreg $0x60  }
0xaf: {  	[dreg:$0x2] =	wrdreg s2  }
0xb0: {  	[dreg:$0x3] =	wrdreg s24  }
0xb1: {  	[dreg:$0x4] =	wrdreg s18  }
0xb2: {  	[dreg:$0x5] =	wrdreg $0xB8000  }
0xb3: {  	[dreg:$0x6] =	wrdreg $0x9  }
0xb4: {  	_ =	task.clear_ibuf [dreg:s8], $0x7FFFF;
	_ =	strace $0x90000046  }
0xb5: {  	s29 =	simm.s32 $0x9;
	_ =	strace $0x80000048  }
0xb6: {  	_ =	swait.ge [sflag:s29], $0x1  }
0xb7: {  	[sflag:s29] =	ssyncadd.s32 $0xFFFFFFFF  }
0xb8: {  	_ =	strace $0x90000048  }
0xb9: {  	_ =	sfence  }
0xba: {  	s30 =	sld [smem:$0x0];
	_ =	sdelay $0x2  }
0xbb: {  	s31 =	sshll.u32 s1, $0xD;
	s1 =	sshrl.u32 s1, $0x2  }
0xbc: {  	s3 =	sand.u32 $0x4000, s31;
	s1 =	sadd.s32 s1, s30  }
0xbd: {  	s0 =	sor.u32 s3, s0;
	s1 =	sshll.u32 s1, $0x11  }
0xbe: {  	s0 =	sor.u32 s1, s0  }
0xbf: {  	s0 =	sadd.s32 $0x8F2B, s0  }
0xc0: {  	[sflag:s0] =	ssyncadd.remote.s32 $0x1  }
0xc1: {  	_ =	sfence.sel $0xFFFF  }
0xc2: {  	[dreg:$0x0] =	wrdreg $0xFFFFFFFF;
	(pc) =	sbr.abs _section_cstart, $3  }
0xc3: {  	[dreg:$0x1] =	wrdreg $0xFFFFFFFF  }
0xc4: {  	_ =	task.clear_ibuf [dreg:s8], $0x2FFFF;
	_ =	strace $0x9FFFFFFF  }
0xc5: {  	(tm) =	ssettm $0x7FFFFFFF  }
tec
execute0_lowered:
.L_overlay_start_1:
0x0: {  	(tag) =	ssettag $0x1  }
0x1: {  	s0 =	rddreg [dreg:$0x0]  }
0x2: {  	s2 =	rddreg [dreg:$0x1]  }
0x3: {  	s4 =	rddreg [dreg:$0x2]  }
0x4: {  	s1 =	rddreg [dreg:$0x3]  }
0x5: {  	s5 =	srdreg.scid;
	s13 =	stileid.u32  }
0x6: {  	s3 =	simm.s32 $0x0;
	s5 =	sand.u32 $0x1, s5;
	s7 =	smul.u32 $0x280, s13  }
0x7: {  	[smem:$0x7FF] =	sst s3;
	s18 =	smul.u32 $0x50000, s13;
	s6 =	sshll.u32 s5, $0x4  }
0x8: {  	_ =	strace $0x80000047;
	s9 =	ssub.s32 $0x2, s5;
	s10 =	smul.u32 $0x2800, s5  }
0x9: {  	s5 =	smul.u32 $0x271000, s5;
	s6 =	sor.u32 s13, s6;
	s11 =	sshrl.u32 s9, $0x1  }
0xa: {  	s20 =	sshrl.u32 s18, $0x2;
	s13 =	smul.u32 $0x27100, s13;
	s8 =	sshll.u32 s6, $0xB  }
0xb: {  	s6 =	smul.u32 $0x27100, s6;
	s9 =	ssub.s32 s9, s11;
	s7 =	sadd.s32 s7, s10  }
0xc: {  	s10 =	simm.s32 $0x9000;
	s11 =	simm.s32 $0x0;
	s8 =	sadd.s32 s8, s2  }
0xd: {  	s2 =	sadd.s32 $0x10E00, s2;
	s19 =	smax.u32 s9, $0x1;
	s21 =	sshll.u32 s7, $0x4  }
0xe: {  	s7 =	sadd.s32 s20, s1;
	s9 =	simm.s32 $0x2;
	s8 =	sadd.s32 $0xE00, s8  }
0xf: {  	s6 =	sadd.s32 s0, s6;
	[dreg:$0x7] =	wrdreg s19;
	s22 =	sadd.s32 s4, s21  }
0x10: {  	s23 =	sor.u32 $0x500, s21;
	s25 =	sadd.s32 $0xA00, s21;
	[dreg:$0x5] =	wrdreg s8  }
0x11: {  	s26 =	sadd.s32 $0xF00, s21;
	s15 =	sadd.s32 $0x1400, s21;
	[dreg:$0x6] =	wrdreg s6  }
0x12: {  	s0 =	sadd.s32 s5, s0;
	s20 =	sadd.s32 s2, s21;
	[dreg:$0x8] =	wrdreg s22  }
0x13: {  	s17 =	sadd.s32 $0x1E00, s21;
	s24 =	sadd.s32 s4, s23;
	[dreg:$0x10] =	wrdreg s20  }
0x14: {  	s18 =	sadd.s32 $0x2300, s21;
	s12 =	sadd.s32 s4, s25;
	[dreg:$0x9] =	wrdreg s24  }
0x15: {  	s28 =	sadd.s32 $0x7800, s7;
	s14 =	sadd.s32 s4, s26;
	[dreg:$0xa] =	wrdreg s12  }
0x16: {  	s29 =	sadd.s32 $0xA000, s7;
	s19 =	sadd.s32 s4, s17;
	[dreg:$0xb] =	wrdreg s14  }
0x17: {  	s30 =	sadd.s32 $0xC800, s7;
	s22 =	sadd.s32 s2, s25;
	[dreg:$0xe] =	wrdreg s19  }
0x18: {  	s31 =	sadd.s32 $0xF000, s7;
	s14 =	sadd.s32 s4, s15;
	[dreg:$0x12] =	wrdreg s22  }
0x19: {  	s12 =	sadd.s32 $0x1900, s21;
	s21 =	sadd.s32 s2, s23;
	[dreg:$0xc] =	wrdreg s14  }
0x1a: {  	s5 =	simm.s32 $0x6800;
	s23 =	sadd.s32 s2, s26;
	[dreg:$0x11] =	wrdreg s21  }
0x1b: {  	s0 =	sadd.s32 s13, s0;
	s24 =	sadd.s32 s2, s15;
	[dreg:$0x13] =	wrdreg s23  }
0x1c: {  	s6 =	simm.s32 $0x1;
	s26 =	sadd.s32 s2, s17;
	[dreg:$0x14] =	wrdreg s24  }
0x1d: {  	s8 =	simm.s32 $0x50;
	s16 =	sadd.s32 s4, s12;
	[dreg:$0x16] =	wrdreg s26  }
0x1e: {  	s4 =	sadd.s32 s4, s18;
	s25 =	sadd.s32 s2, s12;
	[dreg:$0xd] =	wrdreg s16  }
0x1f: {  	s23 =	sadd.s32 s2, s18;
	s24 =	sadd.s32 $0x2800, s7;
	[dreg:$0xf] =	wrdreg s4  }
0x20: {  	s26 =	sadd.s32 $0x5000, s7;
	s2 =	simm.s32 $0x4000;
	[dreg:$0x15] =	wrdreg s25  }
0x21: {  	v0 =	vimm.f32 $0.0e+00;
	v1 =	vimm.f32 $1.000000000e+00;
	s25 =	sadd.s32 $0xA00, s0;
	s0 =	sadd.s32 $0x11800, s7;
	s4 =	simm.s32 $0x3  }
.LBB2_1:
0x22: {  	s12 =	simm.s32 $0x0;
	s13 =	simm.s32 $0x200  }
.LBB2_2:
0x23: {  	p0 =	sne.s32 s13, $0x9E00;
	[tilespmem:s12+$0x9070] =	vst v1  }
0x24: {  	[tilespmem:s12+$0x4000] =	vst v0  }
0x25: {  	[tilespmem:s12+$0x9000] =	vst v1  }
0x26: {  	[tilespmem:s12+$0x4010] =	vst v0  }
0x27: {  	[tilespmem:s12+$0x9010] =	vst v1  }
0x28: {  	[tilespmem:s12+$0x4020] =	vst v0  }
0x29: {  	[tilespmem:s12+$0x9020] =	vst v1  }
0x2a: {  	[tilespmem:s12+$0x4030] =	vst v0  }
0x2b: {  	[tilespmem:s12+$0x9030] =	vst v1  }
0x2c: {  	[tilespmem:s12+$0x4040] =	vst v0  }
0x2d: {  	[tilespmem:s12+$0x9040] =	vst v1  }
.Ltmp0:
0x2e: {  	[tilespmem:s12+$0x4050] =	vst v0;
	(pc) =	sbr.rel @p0 .LBB2_2-.Ltmp0, $4  }
0x2f: {  	[tilespmem:s12+$0x9050] =	vst v1  }
0x30: {  	[tilespmem:s12+$0x4060] =	vst v0  }
0x31: {  	[tilespmem:s12+$0x9060] =	vst v1  }
0x32: {  	[tilespmem:s12+$0x4070] =	vst v0;
	s12 =	sshra.s32 s13, $0x2;
	s13 =	sadd.s32 $0x200, s13  }
0x33: {  	[tilespmem:s12+$0x9070] =	vst v1  }
0x34: {  	[tilespmem:s12+$0x4000] =	vst v0  }
0x35: {  	[tilespmem:s12+$0x9000] =	vst v1  }
0x36: {  	[tilespmem:s12+$0x4010] =	vst v0  }
0x37: {  	[tilespmem:s12+$0x9010] =	vst v1  }
0x38: {  	[tilespmem:s12+$0x4020] =	vst v0  }
0x39: {  	[tilespmem:s12+$0x9020] =	vst v1  }
0x3a: {  	[tilespmem:s12+$0x4030] =	vst v0  }
0x3b: {  	[tilespmem:s12+$0x9030] =	vst v1  }
0x3c: {  	[tilespmem:s12+$0x4040] =	vst v0  }
0x3d: {  	[tilespmem:s12+$0x9040] =	vst v1  }
0x3e: {  	[tilespmem:s12+$0x4050] =	vst v0  }
0x3f: {  	[tilespmem:s12+$0x9050] =	vst v1  }
0x40: {  	[tilespmem:s12+$0x4060] =	vst v0  }
0x41: {  	[tilespmem:s12+$0x9060] =	vst v1  }
0x42: {  	[tilespmem:s12+$0x4070] =	vst v0  }
0x43: {  	[spmem:s7] =	stream.linear.scatter [tilespmem:s2], [sflag:$0x3], $0x2800, $0x38;
	[tilespmem:$0x1F800] =	vst v63  }
0x44: {  	_ =	swait.ge [sflag:s4], $0x2800  }
0x45: {  	[sflag:s4] =	ssyncset.done $0x0  }
0x46: {  	[sflag:s4] =	ssyncadd.s32 $0xFFFFD800  }
0x47: {  	[spmem:s24] =	stream.linear.scatter [tilespmem:s2], [sflag:$0x3], $0x2800, $0x38;
	[tilespmem:$0x1F800] =	vst v63  }
0x48: {  	_ =	swait.ge [sflag:s4], $0x2800  }
0x49: {  	[sflag:s4] =	ssyncset.done $0x0  }
0x4a: {  	[sflag:s4] =	ssyncadd.s32 $0xFFFFD800  }
0x4b: {  	[spmem:s26] =	stream.linear.scatter [tilespmem:s2], [sflag:$0x3], $0x2800, $0x38;
	[tilespmem:$0x1F800] =	vst v63  }
0x4c: {  	_ =	swait.ge [sflag:s4], $0x2800  }
0x4d: {  	[sflag:s4] =	ssyncset.done $0x0  }
0x4e: {  	[sflag:s4] =	ssyncadd.s32 $0xFFFFD800  }
0x4f: {  	[spmem:s28] =	stream.linear.scatter [tilespmem:s2], [sflag:$0x3], $0x2800, $0x38;
	[tilespmem:$0x1F800] =	vst v63  }
0x50: {  	_ =	swait.ge [sflag:s4], $0x2800  }
0x51: {  	[sflag:s4] =	ssyncset.done $0x0  }
0x52: {  	[sflag:s4] =	ssyncadd.s32 $0xFFFFD800  }
0x53: {  	[spmem:s29] =	stream.linear.scatter [tilespmem:s2], [sflag:$0x3], $0x2800, $0x38;
	[tilespmem:$0x1F800] =	vst v63  }
0x54: {  	_ =	swait.ge [sflag:s4], $0x2800  }
0x55: {  	[sflag:s4] =	ssyncset.done $0x0  }
0x56: {  	[sflag:s4] =	ssyncadd.s32 $0xFFFFD800  }
0x57: {  	[spmem:s30] =	stream.linear.scatter [tilespmem:s2], [sflag:$0x3], $0x2800, $0x38;
	[tilespmem:$0x1F800] =	vst v63  }
0x58: {  	_ =	swait.ge [sflag:s4], $0x2800  }
0x59: {  	[sflag:s4] =	ssyncset.done $0x0  }
0x5a: {  	[sflag:s4] =	ssyncadd.s32 $0xFFFFD800  }
0x5b: {  	[spmem:s31] =	stream.linear.scatter [tilespmem:s2], [sflag:$0x3], $0x2800, $0x38;
	[tilespmem:$0x1F800] =	vst v63  }
0x5c: {  	_ =	swait.ge [sflag:s4], $0x2800  }
0x5d: {  	[sflag:s4] =	ssyncset.done $0x0  }
0x5e: {  	[sflag:s4] =	ssyncadd.s32 $0xFFFFD800  }
0x5f: {  	[spmem:s0] =	stream.linear.scatter [tilespmem:s2], [sflag:$0x3], $0x2800, $0x38;
	[tilespmem:$0x1F800] =	vst v63  }
0x60: {  	_ =	swait.ge [sflag:s4], $0x2800  }
0x61: {  	[sflag:s4] =	ssyncset.done $0x0  }
0x62: {  	s18 =	simm.s32 $0x0;
	s13 =	rddreg [dreg:$0x5];
	[sflag:s4] =	ssyncadd.s32 $0xFFFFD800  }
0x63: {  	[tilespmem:s18], [sflag:$0x3] =	stream.linear.gather [hbm4b:s13+s18], $0x3E80, $0x38;
	[tilespmem:$0x1F800] =	vst v63  }
0x64: {  	_ =	swait.ge [sflag:s4], $0x3E80  }
0x65: {  	[sflag:s4] =	ssyncset.done $0x0  }
0x66: {  	[sflag:s4] =	ssyncadd.s32 $0xFFFFC180  }
0x67: {  	[bflag:$0x0] =	sbarrier.arrive $0xFFFF  }
0x68: {  	s19 =	rddreg [dreg:$0x6]  }
0x69: {  	[tilespmem:s2], [sflag:$0x1] =	stream.linear.gather [hbm4b:s19+s18], $0x2800, $0x38;
	[tilespmem:$0x1F800] =	vst v63  }
0x6a: {  	s20 =	sadd.s32 $0xFFFFFB00, s25  }
0x6b: {  	[tilespmem:s5], [sflag:$0x2] =	stream.linear.gather [hbm4b:s20+s3], $0x2800, $0x38;
	[tilespmem:$0x1F800] =	vst v63  }
0x6c: {  	_ =	swait.ge [sflag:s6], $0x2800  }
0x6d: {  	[sflag:s6] =	ssyncset.done $0x0  }
0x6e: {  	s21 =	simm.s32 $0x0;
	[sflag:s6] =	ssyncadd.s32 $0xFFFFD800  }
0x6f: {  	[spmem:s1] =	stream.indirect.scatter.add.f32 [tilespmem:s2], [sflag:$0x3], $0x80, s21, s8, $0xb8;
	[tilespmem:$0x1F800] =	vst v63  }
0x70: {  	_ =	swait.ge [sflag:s4], $0x2800  }
0x71: {  	[sflag:s4] =	ssyncset.done $0x0  }
0x72: {  	[sflag:s4] =	ssyncadd.s32 $0xFFFFD800  }
0x73: {  	[tilespmem:s2], [sflag:$0x1] =	stream.linear.gather [hbm4b:s25+s3], $0x2800, $0x38;
	[tilespmem:$0x1F800] =	vst v63  }
0x74: {  	_ =	swait.ge [sflag:s9], $0x2800  }
0x75: {  	[sflag:s9] =	ssyncset.done $0x0  }
0x76: {  	s22 =	simm.s32 $0x80;
	[sflag:s9] =	ssyncadd.s32 $0xFFFFD800  }
0x77: {  	[spmem:s1] =	stream.indirect.scatter.add.f32 [tilespmem:s5], [sflag:$0x3], $0x80, s22, s8, $0xb8;
	[tilespmem:$0x1F800] =	vst v63  }
0x78: {  	s14 =	simm.s32 $0x800;
	_ =	swait.ge [sflag:s4], $0x2800  }
0x79: {  	s12 =	sadd.s32 $0xA00, s25;
	s13 =	simm.s32 $0x400;
	[sflag:s4] =	ssyncset.done $0x0  }
.LBB2_4:
0x7a: {  	p0 =	sne.s32 s14, $0xF400;
	s15 =	sadd.s32 $0xFFFFFB00, s12;
	[sflag:s4] =	ssyncadd.s32 $0xFFFFD800  }
0x7b: {  	[tilespmem:s5], [sflag:$0x2] =	stream.linear.gather [hbm4b:s15+s3], $0x2800, $0x38;
	[tilespmem:$0x1F800] =	vst v63  }
0x7c: {  	s15 =	smov.u32 s14;
	s14 =	sadd.s32 $0x400, s14;
	_ =	swait.ge [sflag:s6], $0x2800  }
0x7d: {  	[sflag:s6] =	ssyncset.done $0x0  }
0x7e: {  	s16 =	sshra.s32 s13, $0x2;
	s13 =	smov.u32 s15;
	[sflag:s6] =	ssyncadd.s32 $0xFFFFD800  }
0x7f: {  	[spmem:s1] =	stream.indirect.scatter.add.f32 [tilespmem:s2], [sflag:$0x3], $0x80, s16, s8, $0xb8;
	[tilespmem:$0x1F800] =	vst v63  }
0x80: {  	_ =	swait.ge [sflag:s4], $0x2800  }
0x81: {  	[sflag:s4] =	ssyncset.done $0x0  }
0x82: {  	[sflag:s4] =	ssyncadd.s32 $0xFFFFD800  }
0x83: {  	[tilespmem:s2], [sflag:$0x1] =	stream.linear.gather [hbm4b:s12+s3], $0x2800, $0x38;
	[tilespmem:$0x1F800] =	vst v63  }
0x84: {  	_ =	swait.ge [sflag:s9], $0x2800  }
.Ltmp1:
0x85: {  	[sflag:s9] =	ssyncset.done $0x0;
	(pc) =	sbr.rel @p0 .LBB2_4-.Ltmp1, $4  }
0x86: {  	s15 =	sadd.s32 $0x80, s16;
	[sflag:s9] =	ssyncadd.s32 $0xFFFFD800  }
0x87: {  	[spmem:s1] =	stream.indirect.scatter.add.f32 [tilespmem:s5], [sflag:$0x3], $0x80, s15, s8, $0xb8;
	[tilespmem:$0x1F800] =	vst v63  }
0x88: {  	_ =	swait.ge [sflag:s4], $0x2800  }
0x89: {  	s12 =	sadd.s32 $0xA00, s12;
	[sflag:s4] =	ssyncset.done $0x0  }
0x8a: {  	s14 =	sadd.s32 $0xFFFFFB00, s12;
	[sflag:s4] =	ssyncadd.s32 $0xFFFFD800  }
0x8b: {  	[tilespmem:s5], [sflag:$0x2] =	stream.linear.gather [hbm4b:s14+s3], $0x2800, $0x38;
	[tilespmem:$0x1F800] =	vst v63  }
0x8c: {  	_ =	swait.ge [sflag:s6], $0x2800  }
0x8d: {  	[sflag:s6] =	ssyncset.done $0x0  }
0x8e: {  	s13 =	sshra.s32 s13, $0x2;
	[sflag:s6] =	ssyncadd.s32 $0xFFFFD800  }
0x8f: {  	[spmem:s1] =	stream.indirect.scatter.add.f32 [tilespmem:s2], [sflag:$0x3], $0x80, s13, s8, $0xb8;
	[tilespmem:$0x1F800] =	vst v63  }
0x90: {  	_ =	swait.ge [sflag:s4], $0x2800  }
0x91: {  	[sflag:s4] =	ssyncset.done $0x0  }
0x92: {  	[sflag:s4] =	ssyncadd.s32 $0xFFFFD800  }
0x93: {  	[tilespmem:s2], [sflag:$0x1] =	stream.linear.gather [hbm4b:s12+s3], $0x2800, $0x38;
	[tilespmem:$0x1F800] =	vst v63  }
0x94: {  	_ =	swait.ge [sflag:s9], $0x2800  }
0x95: {  	[sflag:s9] =	ssyncset.done $0x0  }
0x96: {  	s19 =	sadd.s32 $0x80, s13;
	[sflag:s9] =	ssyncadd.s32 $0xFFFFD800  }
0x97: {  	[spmem:s1] =	stream.indirect.scatter.add.f32 [tilespmem:s5], [sflag:$0x3], $0x80, s19, s8, $0xb8;
	[tilespmem:$0x1F800] =	vst v63  }
0x98: {  	_ =	swait.ge [sflag:s4], $0x2800  }
0x99: {  	[sflag:s4] =	ssyncset.done $0x0  }
0x9a: {  	[sflag:s4] =	ssyncadd.s32 $0xFFFFD800  }
0x9b: {  	_ =	swait.ge [sflag:s6], $0x2800  }
0x9c: {  	[sflag:s6] =	ssyncset.done $0x0  }
0x9d: {  	s20 =	simm.s32 $0x3E00;
	[sflag:s6] =	ssyncadd.s32 $0xFFFFD800  }
0x9e: {  	[spmem:s1] =	stream.indirect.scatter.add.f32 [tilespmem:s2], [sflag:$0x3], $0x80, s20, s8, $0xb8;
	[tilespmem:$0x1F800] =	vst v63  }
0x9f: {  	_ =	swait.ge [sflag:s4], $0x2800  }
0xa0: {  	[sflag:s4] =	ssyncset.done $0x0  }
0xa1: {  	s21 =	stileid.u32;
	[sflag:s4] =	ssyncadd.s32 $0xFFFFD800  }
0xa2: {  	s12 =	sshll.u32 s21, $0x6;
	[bflag:$0x0] =	sbarrier.arrive $0xFFFF  }
0xa3: {  	s13 =	sshrl.u32 s7, $0x3;
	s12 =	sor.u32 $0x1C02, s12;
	s22 =	rddreg [dreg:$0x8]  }
0xa4: {  	[hbm:s22], [sflag:s12] =	dma.local [spmem:s13], $0x500  }
0xa5: {  	s14 =	sshrl.u32 s24, $0x3;
	s15 =	rddreg [dreg:$0x9]  }
0xa6: {  	[hbm:s15], [sflag:s12] =	dma.local [spmem:s14], $0x500  }
0xa7: {  	s15 =	sshrl.u32 s26, $0x3;
	s16 =	rddreg [dreg:$0xa]  }
0xa8: {  	[hbm:s16], [sflag:s12] =	dma.local [spmem:s15], $0x500  }
0xa9: {  	s16 =	sshrl.u32 s28, $0x3;
	s17 =	rddreg [dreg:$0xb]  }
0xaa: {  	[hbm:s17], [sflag:s12] =	dma.local [spmem:s16], $0x500  }
0xab: {  	s17 =	sshrl.u32 s29, $0x3;
	s18 =	rddreg [dreg:$0xc]  }
0xac: {  	[hbm:s18], [sflag:s12] =	dma.local [spmem:s17], $0x500  }
0xad: {  	s18 =	sshrl.u32 s30, $0x3;
	s19 =	rddreg [dreg:$0xd]  }
0xae: {  	[hbm:s19], [sflag:s12] =	dma.local [spmem:s18], $0x500  }
0xaf: {  	s19 =	sshrl.u32 s31, $0x3;
	s20 =	rddreg [dreg:$0xe]  }
0xb0: {  	[hbm:s20], [sflag:s12] =	dma.local [spmem:s19], $0x500  }
0xb1: {  	s20 =	sshrl.u32 s0, $0x3;
	s21 =	rddreg [dreg:$0xf]  }
0xb2: {  	[hbm:s21], [sflag:s12] =	dma.local [spmem:s20], $0x500  }
0xb3: {  	_ =	swait.ge [sflag:s9], $0x500  }
0xb4: {  	[sflag:s9] =	ssyncset.done $0x0  }
0xb5: {  	[sflag:s9] =	ssyncadd.s32 $0xFFFFFB00  }
0xb6: {  	_ =	swait.ge [sflag:s9], $0x500  }
0xb7: {  	[sflag:s9] =	ssyncset.done $0x0  }
0xb8: {  	[sflag:s9] =	ssyncadd.s32 $0xFFFFFB00  }
0xb9: {  	_ =	swait.ge [sflag:s9], $0x500  }
0xba: {  	[sflag:s9] =	ssyncset.done $0x0  }
0xbb: {  	[sflag:s9] =	ssyncadd.s32 $0xFFFFFB00  }
0xbc: {  	_ =	swait.ge [sflag:s9], $0x500  }
0xbd: {  	[sflag:s9] =	ssyncset.done $0x0  }
0xbe: {  	[sflag:s9] =	ssyncadd.s32 $0xFFFFFB00  }
0xbf: {  	_ =	swait.ge [sflag:s9], $0x500  }
0xc0: {  	[sflag:s9] =	ssyncset.done $0x0  }
0xc1: {  	[sflag:s9] =	ssyncadd.s32 $0xFFFFFB00  }
0xc2: {  	_ =	swait.ge [sflag:s9], $0x500  }
0xc3: {  	[sflag:s9] =	ssyncset.done $0x0  }
0xc4: {  	[sflag:s9] =	ssyncadd.s32 $0xFFFFFB00  }
0xc5: {  	_ =	swait.ge [sflag:s9], $0x500  }
0xc6: {  	[sflag:s9] =	ssyncset.done $0x0  }
0xc7: {  	[sflag:s9] =	ssyncadd.s32 $0xFFFFFB00  }
0xc8: {  	_ =	swait.ge [sflag:s9], $0x500  }
0xc9: {  	[sflag:s9] =	ssyncset.done $0x0  }
0xca: {  	s22 =	simm.s32 $0x200;
	s21 =	simm.s32 $0x0;
	[sflag:s9] =	ssyncadd.s32 $0xFFFFFB00  }
.LBB2_6:
0xcb: {  	p0 =	sne.s32 s22, $0x9E00;
	[tilespmem:s21+$0x4070] =	vst v0  }
0xcc: {  	[tilespmem:s21+$0x4000] =	vst v0  }
0xcd: {  	[tilespmem:s21+$0x4010] =	vst v0  }
.Ltmp2:
0xce: {  	[tilespmem:s21+$0x4020] =	vst v0;
	(pc) =	sbr.rel @p0 .LBB2_6-.Ltmp2, $4  }
0xcf: {  	[tilespmem:s21+$0x4030] =	vst v0  }
0xd0: {  	[tilespmem:s21+$0x4040] =	vst v0  }
0xd1: {  	[tilespmem:s21+$0x4050] =	vst v0  }
0xd2: {  	[tilespmem:s21+$0x4060] =	vst v0;
	s21 =	sshra.s32 s22, $0x2;
	s22 =	sadd.s32 $0x200, s22  }
0xd3: {  	[tilespmem:s21+$0x4070] =	vst v0  }
0xd4: {  	[tilespmem:s21+$0x4000] =	vst v0  }
0xd5: {  	[tilespmem:s21+$0x4010] =	vst v0  }
0xd6: {  	[tilespmem:s21+$0x4020] =	vst v0  }
0xd7: {  	[tilespmem:s21+$0x4030] =	vst v0  }
0xd8: {  	[tilespmem:s21+$0x4040] =	vst v0  }
0xd9: {  	[tilespmem:s21+$0x4050] =	vst v0  }
0xda: {  	[tilespmem:s21+$0x4060] =	vst v0  }
0xdb: {  	[spmem:s7] =	stream.linear.scatter [tilespmem:s2], [sflag:$0x3], $0x2800, $0x38;
	[tilespmem:$0x1F800] =	vst v63  }
0xdc: {  	_ =	swait.ge [sflag:s4], $0x2800  }
0xdd: {  	[sflag:s4] =	ssyncset.done $0x0  }
0xde: {  	[sflag:s4] =	ssyncadd.s32 $0xFFFFD800  }
0xdf: {  	[spmem:s24] =	stream.linear.scatter [tilespmem:s2], [sflag:$0x3], $0x2800, $0x38;
	[tilespmem:$0x1F800] =	vst v63  }
0xe0: {  	_ =	swait.ge [sflag:s4], $0x2800  }
0xe1: {  	[sflag:s4] =	ssyncset.done $0x0  }
0xe2: {  	[sflag:s4] =	ssyncadd.s32 $0xFFFFD800  }
0xe3: {  	[spmem:s26] =	stream.linear.scatter [tilespmem:s2], [sflag:$0x3], $0x2800, $0x38;
	[tilespmem:$0x1F800] =	vst v63  }
0xe4: {  	_ =	swait.ge [sflag:s4], $0x2800  }
0xe5: {  	[sflag:s4] =	ssyncset.done $0x0  }
0xe6: {  	[sflag:s4] =	ssyncadd.s32 $0xFFFFD800  }
0xe7: {  	[spmem:s28] =	stream.linear.scatter [tilespmem:s2], [sflag:$0x3], $0x2800, $0x38;
	[tilespmem:$0x1F800] =	vst v63  }
0xe8: {  	_ =	swait.ge [sflag:s4], $0x2800  }
0xe9: {  	[sflag:s4] =	ssyncset.done $0x0  }
0xea: {  	[sflag:s4] =	ssyncadd.s32 $0xFFFFD800  }
0xeb: {  	[spmem:s29] =	stream.linear.scatter [tilespmem:s2], [sflag:$0x3], $0x2800, $0x38;
	[tilespmem:$0x1F800] =	vst v63  }
0xec: {  	_ =	swait.ge [sflag:s4], $0x2800  }
0xed: {  	[sflag:s4] =	ssyncset.done $0x0  }
0xee: {  	[sflag:s4] =	ssyncadd.s32 $0xFFFFD800  }
0xef: {  	[spmem:s30] =	stream.linear.scatter [tilespmem:s2], [sflag:$0x3], $0x2800, $0x38;
	[tilespmem:$0x1F800] =	vst v63  }
0xf0: {  	_ =	swait.ge [sflag:s4], $0x2800  }
0xf1: {  	[sflag:s4] =	ssyncset.done $0x0  }
0xf2: {  	[sflag:s4] =	ssyncadd.s32 $0xFFFFD800  }
0xf3: {  	[spmem:s31] =	stream.linear.scatter [tilespmem:s2], [sflag:$0x3], $0x2800, $0x38;
	[tilespmem:$0x1F800] =	vst v63  }
0xf4: {  	_ =	swait.ge [sflag:s4], $0x2800  }
0xf5: {  	[sflag:s4] =	ssyncset.done $0x0  }
0xf6: {  	[sflag:s4] =	ssyncadd.s32 $0xFFFFD800  }
0xf7: {  	[spmem:s0] =	stream.linear.scatter [tilespmem:s2], [sflag:$0x3], $0x2800, $0x38;
	[tilespmem:$0x1F800] =	vst v63  }
0xf8: {  	_ =	swait.ge [sflag:s4], $0x2800  }
0xf9: {  	[sflag:s4] =	ssyncset.done $0x0  }
0xfa: {  	[sflag:s4] =	ssyncadd.s32 $0xFFFFD800  }
0xfb: {  	s21 =	simm.s32 $0x0;
	[bflag:$0x0] =	sbarrier.arrive $0xFFFF  }
.LBB2_8:
0xfc: {  	p0 =	sne.s32 s21, $0xF800  }
.Ltmp3:
0xfd: {  	_ = 	snop;
	(pc) =	sbr.rel @p0 .LBB2_8-.Ltmp3, $3  }
0xfe: {  	_ =	sdelay $0x1  }
0xff: {  	s22 =	sshra.s32 s21, $0x2;
	s21 =	sadd.s32 $0x200, s21  }
0x100: {  	[spmem:s1] =	stream.indirect.scatter.add.f32 [tilespmem:s10], [sflag:$0x1], $0x80, s22, s8, $0xb8;
	[tilespmem:$0x1F800] =	vst v63  }
0x101: {  	_ =	swait.ge [sflag:s6], $0x2800  }
0x102: {  	s21 =	simm.s32 $0x7C;
	[sflag:s6] =	ssyncset.done $0x0  }
.LBB2_10:
0x103: {  	p0 =	sne.s32 s21, $0x1;
	s21 =	sadd.s32 $0xFFFFFFFF, s21;
	[sflag:s6] =	ssyncadd.s32 $0xFFFFD800  }
.Ltmp4:
0x104: {  	(pc) =	sbr.rel @p0 .LBB2_10-.Ltmp4, $3  }
0x105: {  	_ =	sdelay $0x1  }
0x106: {  	_ =	swait.ge [sflag:s6], $0x2800  }
0x107: {  	[sflag:s6] =	ssyncset.done $0x0  }
0x108: {  	[sflag:s6] =	ssyncadd.s32 $0xFFFFD800  }
0x109: {  	[bflag:$0x0] =	sbarrier.arrive $0xFFFF  }
0x10a: {  	s21 =	rddreg [dreg:$0x10]  }
0x10b: {  	[hbm:s21], [sflag:s12] =	dma.local [spmem:s13], $0x500  }
0x10c: {  	s13 =	rddreg [dreg:$0x11]  }
0x10d: {  	[hbm:s13], [sflag:s12] =	dma.local [spmem:s14], $0x500  }
0x10e: {  	s13 =	rddreg [dreg:$0x12]  }
0x10f: {  	[hbm:s13], [sflag:s12] =	dma.local [spmem:s15], $0x500  }
0x110: {  	s13 =	rddreg [dreg:$0x13]  }
0x111: {  	[hbm:s13], [sflag:s12] =	dma.local [spmem:s16], $0x500  }
0x112: {  	s13 =	rddreg [dreg:$0x14]  }
0x113: {  	[hbm:s13], [sflag:s12] =	dma.local [spmem:s17], $0x500  }
0x114: {  	s13 =	rddreg [dreg:$0x15]  }
0x115: {  	[hbm:s13], [sflag:s12] =	dma.local [spmem:s18], $0x500  }
0x116: {  	s13 =	rddreg [dreg:$0x16]  }
0x117: {  	[hbm:s13], [sflag:s12] =	dma.local [spmem:s19], $0x500  }
0x118: {  	[hbm:s23], [sflag:s12] =	dma.local [spmem:s20], $0x500  }
0x119: {  	_ =	swait.ge [sflag:s9], $0x500  }
0x11a: {  	[sflag:s9] =	ssyncset.done $0x0  }
0x11b: {  	[sflag:s9] =	ssyncadd.s32 $0xFFFFFB00  }
0x11c: {  	_ =	swait.ge [sflag:s9], $0x500  }
0x11d: {  	[sflag:s9] =	ssyncset.done $0x0  }
0x11e: {  	[sflag:s9] =	ssyncadd.s32 $0xFFFFFB00  }
0x11f: {  	_ =	swait.ge [sflag:s9], $0x500  }
0x120: {  	[sflag:s9] =	ssyncset.done $0x0  }
0x121: {  	[sflag:s9] =	ssyncadd.s32 $0xFFFFFB00  }
0x122: {  	_ =	swait.ge [sflag:s9], $0x500  }
0x123: {  	[sflag:s9] =	ssyncset.done $0x0  }
0x124: {  	[sflag:s9] =	ssyncadd.s32 $0xFFFFFB00  }
0x125: {  	_ =	swait.ge [sflag:s9], $0x500  }
0x126: {  	[sflag:s9] =	ssyncset.done $0x0  }
0x127: {  	[sflag:s9] =	ssyncadd.s32 $0xFFFFFB00  }
0x128: {  	_ =	swait.ge [sflag:s9], $0x500  }
0x129: {  	[sflag:s9] =	ssyncset.done $0x0  }
0x12a: {  	[sflag:s9] =	ssyncadd.s32 $0xFFFFFB00  }
0x12b: {  	_ =	swait.ge [sflag:s9], $0x500  }
0x12c: {  	[sflag:s9] =	ssyncset.done $0x0  }
0x12d: {  	[sflag:s9] =	ssyncadd.s32 $0xFFFFFB00  }
0x12e: {  	_ =	swait.ge [sflag:s9], $0x500  }
0x12f: {  	s11 =	sadd.s32 $0x1, s11;
	s22 =	rddreg [dreg:$0x7]  }
0x130: {  	p0 =	sne.s32 s11, s22  }
.Ltmp5:
0x131: {  	_ = 	snop;
	(pc) =	sbr.rel @p0 .LBB2_1-.Ltmp5, $3  }
0x132: {  	_ =	sdelay $0x1  }
0x133: {  	[sflag:s9] =	ssyncset.done $0x0  }
0x134: {  	[sflag:s9] =	ssyncadd.s32 $0xFFFFFB00  }
0x135: {  	_ =	sfence.sel $0x180000  }
0x136: {  	[bflag:$0x0] =	sbarrier.arrive $0xFFFF  }
0x137: {  	_ =	strace $0x90000047  }
0x138: {  	s0 =	stileid.u32;
	[bflag:$0x2] =	sbarrier.arrive $0xFFFF  }
0x139: {  	p0 =	sne.s32 s0, $0x0;
	s0 =	rddreg [dreg:$0x4]  }
0x13a: {  	s0 =	sadd.s32 @!p0 $0x100000, s0  }
0x13b: {  	[sflag:s0] =	ssyncadd.tile.s32 @!p0 $0x1;
	_ =	shalt  }
.Lfunc_end2:
_tile_overlayer_lowered:
.L_overlay_start_2:
0x13c: {  	(tag) =	ssettag $0x2  }
0x13d: {  	s0 =	rddreg [dreg:$0x0];
	s2 =	stileid.u32  }
0x13e: {  	s1 =	rddreg [dreg:$0x1];
	p0 =	sne.s32 s2, $0x0  }
0x13f: {  	s3 =	rddreg [dreg:$0x2];
	[bflag:$0x3] =	sbarrier.arrive $0xFFFF;
	s2 =	simm.s32 @!p0 $0x1C03  }
0x140: {  	[timem:s3], [sflag:s2] =	dma.local @!p0 [hbm:s0], s1  }
0x141: {  	s0 =	simm.s32 @!p0 $0x3  }
0x142: {  	_ =	swait.ge @!p0 [sflag:s0], s1  }
0x143: {  	s1 =	ssub.s32 @!p0 $0x0, s1;
	[sflag:s0] =	ssyncset.done @!p0 $0x0  }
0x144: {  	[sflag:s0] =	ssyncadd.s32 @!p0 s1  }
0x145: {  	[bflag:$0x3] =	sbarrier.arrive $0xFFFF  }
0x146: {  	_ =	shalt  }

</sc_bundles>
